<compile_context>
chip_gen: v7x
topology: tpu7x:2x2x1
jax: 0.10.2.dev20260603
libtpu: 0.0.44.dev20260713+nightly
codegen_flags: <defaults>
</compile_context>

<pallas_src>
import functools

import jax
import jax.numpy as jnp
from jax import lax
from jax.experimental import pallas as pl
from jax.experimental.pallas import tpu as pltpu
from jax.experimental.pallas import tpu_sc as plsc

_B = 8
_MAX_LEN = 2048
_NW = 16
_CHUNK = _B * _MAX_LEN // _NW
_VPW = _CHUNK // 16


def _sc_body(pieces_hbm, len_hbm, out_hbm, rs_hbm, len_v, buf_v, rs_v, s0, s1):
    wid = lax.axis_index("s")
    base = wid * _CHUNK
    row = base // _MAX_LEN
    col0 = base % _MAX_LEN

    c_len = pltpu.async_copy(len_hbm, len_v.at[pl.ds(0, _B)], s0)
    c_buf = pltpu.async_copy(pieces_hbm.at[pl.ds(base, _CHUNK)], buf_v, s1)
    c_len.wait()
    c_buf.wait()

    lane = lax.broadcasted_iota(jnp.int32, (16,), 0)
    lv = jnp.where(lane < _B, len_v[...], 0)
    row_len = jnp.sum(jnp.where(lane == row, lv, 0))
    for j in range(_VPW):
        col = lane + (col0 + j * 16)
        vals = buf_v[pl.ds(j * 16, 16)]
        buf_v[pl.ds(j * 16, 16)] = jnp.where(col < row_len, vals, 0)

    pltpu.sync_copy(buf_v, out_hbm.at[pl.ds(base, _CHUNK)])

    @pl.when(wid == 0)
    def _():
        excl = plsc.cumsum(lv) - lv
        rs_v[...] = jnp.where(lane < _B, excl, jnp.sum(lv))
        pltpu.sync_copy(rs_v.at[pl.ds(0, _B + 1)], rs_hbm)


@functools.partial(jax.jit, static_argnames=())
def kernel(pieces, lengths):
    mesh = plsc.VectorSubcoreMesh(
        core_axis_name="c", subcore_axis_name="s", num_cores=1
    )
    flat = pieces.reshape(_B * _MAX_LEN)
    out_flat, rs = pl.kernel(
        _sc_body,
        out_type=[
            jax.ShapeDtypeStruct((_B * _MAX_LEN,), jnp.int32),
            jax.ShapeDtypeStruct((_B + 1,), jnp.int32),
        ],
        mesh=mesh,
        scratch_types=[
            pltpu.VMEM((16,), jnp.int32),
            pltpu.VMEM((_CHUNK,), jnp.int32),
            pltpu.VMEM((16,), jnp.int32),
            pltpu.SemaphoreType.DMA,
            pltpu.SemaphoreType.DMA,
        ],
        compiler_params=pltpu.CompilerParams(
            needs_layout_passes=False,
            disable_bounds_checks=True,
        ),
    )(flat, lengths)
    return out_flat.reshape(_B, _MAX_LEN), rs

# --- scband reference (transcript-rebuilt; emitter-appended) ---
"""Pipeline reference for scband-sentencepiece-tokenizer-46634754900699 (READ-ONLY COPY).

The authoritative reference and input builder live on the scoring server;
editing this copy changes nothing except your own understanding.
"""

import jax, jax.numpy as jnp
import numpy as np

B = 8
MAX_LEN = 2048
VOCAB = 32000
UNK_ID = 0


def setup_inputs(seed: int = 0) -> dict:
    key = jax.random.key(seed)
    k1, k2 = jax.random.split(key)
    # pieces: dense token ids as produced by tfs.encode_dense (0 = pad/unk)
    pieces = jax.random.randint(k1, (B, MAX_LEN), 0, VOCAB, dtype=jnp.int32)
    # lengths: per-row valid token counts (<= MAX_LEN)
    lengths = jax.random.randint(k2, (B,), 0, MAX_LEN, dtype=jnp.int32)
    return {"pieces": pieces, "lengths": lengths}


def reference(pieces, lengths):
    # Faithful post-encode portion of SentencepieceTokenizer.call:
    #   pieces = tf.where(tf.equal(pieces, 0), unk_id, pieces)
    pieces = jnp.where(jnp.equal(pieces, 0), UNK_ID, pieces)
    # tf.RaggedTensor.from_tensor(pieces, lengths=lengths):
    # represent the ragged tensor as (masked dense values, row_splits).
    col = jnp.arange(pieces.shape[1], dtype=jnp.int32)[None, :]
    mask = col < lengths[:, None]
    ragged_values_dense = jnp.where(mask, pieces, 0)
    row_splits = jnp.concatenate(
        [jnp.zeros((1,), dtype=jnp.int32), jnp.cumsum(lengths).astype(jnp.int32)]
    )
    return ragged_values_dense, row_splits

if __name__ == "__main__":
    import jax
    _d = setup_inputs()
    print(jax.jit(kernel)(*tuple(_d.values())))

</pallas_src>

<mosaic_0001>
#map = affine_map<(d0, d1) -> (0)>
module attributes {stable_mosaic.version = 14 : i64} {
  func.func @_sc_body(%arg0: i32, %arg1: i32, %arg2: memref<16384xi32, #tpu.memory_space<hbm>>, %arg3: memref<8xi32, #tpu.memory_space<hbm>>, %arg4: memref<16384xi32, #tpu.memory_space<hbm>>, %arg5: memref<9xi32, #tpu.memory_space<hbm>>, %arg6: memref<16xi32, #tpu.memory_space<vmem>>, %arg7: memref<1024xi32, #tpu.memory_space<vmem>>, %arg8: memref<16xi32, #tpu.memory_space<vmem>>, %arg9: memref<!tpu.dma_semaphore, #tpu.memory_space<semaphore_mem>>, %arg10: memref<!tpu.dma_semaphore, #tpu.memory_space<semaphore_mem>>) attributes {dimension_semantics = [#tpu.dimension_semantics<core_parallel>, #tpu.dimension_semantics<subcore_parallel>], iteration_bounds = array<i64: 1, 16>, scalar_prefetch = 0 : i64, scratch_operands = 5 : i64, tpu.core_type = #tpu.core_type<sc_vector_subcore>, window_params = [{transform_indices = #map}, {transform_indices = #map}, {transform_indices = #map}, {transform_indices = #map}]} {
    %mul3A = arith.constant 1024 : i32
    %mul3A_0 = arith.muli %arg1, %mul3A : i32
    %jit3A = arith.constant 2048 : i32
    %div3A = arith.divsi %mul3A_0, %jit3A : i32
    %sign3A = arith.constant 0 : i32
    %sign3A_1 = arith.cmpi sgt, %mul3A_0, %sign3A : i32
    %sign3A_2 = arith.extui %sign3A_1 : i1 to i32
    %sign3A_3 = arith.constant 0 : i32
    %sign3A_4 = arith.cmpi slt, %mul3A_0, %sign3A_3 : i32
    %sign3A_5 = arith.extui %sign3A_4 : i1 to i32
    %sign3A_6 = arith.subi %sign3A_2, %sign3A_5 : i32
    %sign3A_7 = arith.constant 0 : i32
    %sign3A_8 = arith.cmpi sgt, %jit3A, %sign3A_7 : i32
    %sign3A_9 = arith.extui %sign3A_8 : i1 to i32
    %sign3A_10 = arith.constant 0 : i32
    %sign3A_11 = arith.cmpi slt, %jit3A, %sign3A_10 : i32
    %sign3A_12 = arith.extui %sign3A_11 : i1 to i32
    %sign3A_13 = arith.subi %sign3A_9, %sign3A_12 : i32
    %ne3A = arith.cmpi ne, %sign3A_6, %sign3A_13 : i32
    %rem3A = arith.remsi %mul3A_0, %jit3A : i32
    %ne3A_14 = arith.constant 0 : i32
    %ne3A_15 = arith.cmpi ne, %rem3A, %ne3A_14 : i32
    %and3A = arith.andi %ne3A, %ne3A_15 : i1
    %sub3A = arith.constant 1 : i32
    %sub3A_16 = arith.subi %div3A, %sub3A : i32
    %select_n3A = arith.select %and3A, %sub3A_16, %div3A : i32
    %jit3A_17 = arith.constant 2048 : i32
    %eq3A = arith.constant 0 : i32
    %eq3A_18 = arith.cmpi eq, %jit3A_17, %eq3A : i32
    %jit3A_19 = arith.constant 1 : i32
    %select_n3A_20 = arith.select %eq3A_18, %jit3A_19, %jit3A_17 : i32
    %rem3A_21 = arith.remsi %mul3A_0, %select_n3A_20 : i32
    %ne3A_22 = arith.constant 0 : i32
    %ne3A_23 = arith.cmpi ne, %rem3A_21, %ne3A_22 : i32
    %lt3A = arith.constant 0 : i32
    %lt3A_24 = arith.cmpi slt, %rem3A_21, %lt3A : i32
    %lt3A_25 = arith.constant 0 : i32
    %lt3A_26 = arith.cmpi slt, %select_n3A_20, %lt3A_25 : i32
    %ne3A_27 = arith.xori %lt3A_24, %lt3A_26 : i1
    %and3A_28 = arith.andi %ne3A_27, %ne3A_23 : i1
    %add3A = arith.addi %rem3A_21, %select_n3A_20 : i32
    %select_n3A_29 = arith.select %and3A_28, %add3A, %rem3A_21 : i32
    %dma_start3A = arith.constant 0 : i32
    %dma_start3A_30 = tpu.memref_slice %arg6[%dma_start3A] : memref<16xi32, #tpu.memory_space<vmem>> -> memref<8xi32, #tpu.memory_space<vmem>>
    %dma_start3A_31 = arith.constant 0 : i32
    %dma_start3A_32 = tpu.memref_slice %arg6[%dma_start3A_31] : memref<16xi32, #tpu.memory_space<vmem>> -> memref<8xi32, #tpu.memory_space<vmem>>
    tpu.enqueue_dma source(%arg3 : memref<8xi32, #tpu.memory_space<hbm>>) target(%dma_start3A_32 : memref<8xi32, #tpu.memory_space<vmem>>) target_semaphore(%arg9 : memref<!tpu.dma_semaphore, #tpu.memory_space<semaphore_mem>>)
    %dma_start3A_33 = tpu.memref_slice %arg2[%mul3A_0] : memref<16384xi32, #tpu.memory_space<hbm>> -> memref<1024xi32, #tpu.memory_space<hbm>>
    %dma_start3A_34 = tpu.memref_slice %arg2[%mul3A_0] : memref<16384xi32, #tpu.memory_space<hbm>> -> memref<1024xi32, #tpu.memory_space<hbm>>
    tpu.enqueue_dma source(%dma_start3A_34 : memref<1024xi32, #tpu.memory_space<hbm>>) target(%arg7 : memref<1024xi32, #tpu.memory_space<vmem>>) target_semaphore(%arg10 : memref<!tpu.dma_semaphore, #tpu.memory_space<semaphore_mem>>)
    %dma_wait3A = arith.constant 0 : i32
    %dma_wait3A_35 = tpu.memref_slice %arg6[%dma_wait3A] : memref<16xi32, #tpu.memory_space<vmem>> -> memref<8xi32, #tpu.memory_space<vmem>>
    %dma_wait3A_36 = arith.constant 0 : i32
    %dma_wait3A_37 = tpu.memref_slice %arg6[%dma_wait3A_36] : memref<16xi32, #tpu.memory_space<vmem>> -> memref<8xi32, #tpu.memory_space<vmem>>
    tpu.wait_dma2 semaphore(%arg9 : memref<!tpu.dma_semaphore, #tpu.memory_space<semaphore_mem>>) src(%arg3 : memref<8xi32, #tpu.memory_space<hbm>>) dst(%dma_wait3A_37 : memref<8xi32, #tpu.memory_space<vmem>>)
    %dma_wait3A_38 = tpu.memref_slice %arg2[%mul3A_0] : memref<16384xi32, #tpu.memory_space<hbm>> -> memref<1024xi32, #tpu.memory_space<hbm>>
    %dma_wait3A_39 = tpu.memref_slice %arg2[%mul3A_0] : memref<16384xi32, #tpu.memory_space<hbm>> -> memref<1024xi32, #tpu.memory_space<hbm>>
    tpu.wait_dma2 semaphore(%arg10 : memref<!tpu.dma_semaphore, #tpu.memory_space<semaphore_mem>>) src(%dma_wait3A_39 : memref<1024xi32, #tpu.memory_space<hbm>>) dst(%arg7 : memref<1024xi32, #tpu.memory_space<vmem>>)
    %iota3A = tpu.iota {dimensions = array<i32: 0>} : vector<16xi32>
    %lt3A_40 = arith.constant 8 : i32
    %lt3A_41 = vector.broadcast %lt3A_40 : i32 to vector<16xi32>
    %lt3A_42 = arith.cmpi slt, %iota3A, %lt3A_41 : vector<16xi32>
    %get3A = arith.constant 0 : index
    %get3A_43 = tpu.vector_load %arg6[%get3A] {strides = array<i32>} : memref<16xi32, #tpu.memory_space<vmem>>, vector<16xi32>,
    %jit3A_44 = arith.constant 0 : i32
    %broadcast_in_dim3A = vector.broadcast %jit3A_44 : i32 to vector<16xi32>
    %select_n3A_45 = arith.select %lt3A_42, %get3A_43, %broadcast_in_dim3A : vector<16xi1>, vector<16xi32>
    %eq3A_46 = vector.broadcast %select_n3A : i32 to vector<16xi32>
    %eq3A_47 = arith.cmpi eq, %iota3A, %eq3A_46 : vector<16xi32>
    %jit3A_48 = arith.constant 0 : i32
    %broadcast_in_dim3A_49 = vector.broadcast %jit3A_48 : i32 to vector<16xi32>
    %select_n3A_50 = arith.select %eq3A_47, %select_n3A_45, %broadcast_in_dim3A_49 : vector<16xi1>, vector<16xi32>
    %reduce_sum3A = arith.constant true
    %reduce_sum3A_51 = vector.broadcast %reduce_sum3A : i1 to vector<16xi1>
    %reduce_sum3A_52 = tpu.scan <sum>, %select_n3A_50 masked %reduce_sum3A_51 : vector<16xi32>, vector<16xi1> -> vector<16xi32>
    %reduce_sum3A_53 = vector.extract %reduce_sum3A_52[15] : i32 from vector<16xi32>
    %add3A_54 = arith.constant 0 : i32
    %add3A_55 = arith.addi %select_n3A_29, %add3A_54 : i32
    %add3A_56 = vector.broadcast %add3A_55 : i32 to vector<16xi32>
    %add3A_57 = arith.addi %iota3A, %add3A_56 : vector<16xi32>
    %get3A_58 = arith.constant 0 : index
    %get3A_59 = tpu.vector_load %arg7[%get3A_58] {strides = array<i32>} : memref<1024xi32, #tpu.memory_space<vmem>>, vector<16xi32>,
    %lt3A_60 = vector.broadcast %reduce_sum3A_53 : i32 to vector<16xi32>
    %lt3A_61 = arith.cmpi slt, %add3A_57, %lt3A_60 : vector<16xi32>
    %jit3A_62 = arith.constant 0 : i32
    %broadcast_in_dim3A_63 = vector.broadcast %jit3A_62 : i32 to vector<16xi32>
    %select_n3A_64 = arith.select %lt3A_61, %get3A_59, %broadcast_in_dim3A_63 : vector<16xi1>, vector<16xi32>
    %swap3A = arith.constant 0 : index
    %swap3A_65 = tpu.vector_load %arg7[%swap3A] {strides = array<i32>} : memref<1024xi32, #tpu.memory_space<vmem>>, vector<16xi32>,
    tpu.vector_store %arg7[%swap3A], %select_n3A_64 {strides = array<i32>} : memref<1024xi32, #tpu.memory_space<vmem>>, vector<16xi32>,
    %add3A_66 = arith.constant 16 : i32
    %add3A_67 = arith.addi %select_n3A_29, %add3A_66 : i32
    %add3A_68 = vector.broadcast %add3A_67 : i32 to vector<16xi32>
    %add3A_69 = arith.addi %iota3A, %add3A_68 : vector<16xi32>
    %get3A_70 = arith.constant 16 : index
    %get3A_71 = tpu.vector_load %arg7[%get3A_70] {strides = array<i32>} : memref<1024xi32, #tpu.memory_space<vmem>>, vector<16xi32>,
    %lt3A_72 = vector.broadcast %reduce_sum3A_53 : i32 to vector<16xi32>
    %lt3A_73 = arith.cmpi slt, %add3A_69, %lt3A_72 : vector<16xi32>
    %jit3A_74 = arith.constant 0 : i32
    %broadcast_in_dim3A_75 = vector.broadcast %jit3A_74 : i32 to vector<16xi32>
    %select_n3A_76 = arith.select %lt3A_73, %get3A_71, %broadcast_in_dim3A_75 : vector<16xi1>, vector<16xi32>
    %swap3A_77 = arith.constant 16 : index
    %swap3A_78 = tpu.vector_load %arg7[%swap3A_77] {strides = array<i32>} : memref<1024xi32, #tpu.memory_space<vmem>>, vector<16xi32>,
    tpu.vector_store %arg7[%swap3A_77], %select_n3A_76 {strides = array<i32>} : memref<1024xi32, #tpu.memory_space<vmem>>, vector<16xi32>,
    %add3A_79 = arith.constant 32 : i32
    %add3A_80 = arith.addi %select_n3A_29, %add3A_79 : i32
    %add3A_81 = vector.broadcast %add3A_80 : i32 to vector<16xi32>
    %add3A_82 = arith.addi %iota3A, %add3A_81 : vector<16xi32>
    %get3A_83 = arith.constant 32 : index
    %get3A_84 = tpu.vector_load %arg7[%get3A_83] {strides = array<i32>} : memref<1024xi32, #tpu.memory_space<vmem>>, vector<16xi32>,
    %lt3A_85 = vector.broadcast %reduce_sum3A_53 : i32 to vector<16xi32>
    %lt3A_86 = arith.cmpi slt, %add3A_82, %lt3A_85 : vector<16xi32>
    %jit3A_87 = arith.constant 0 : i32
    %broadcast_in_dim3A_88 = vector.broadcast %jit3A_87 : i32 to vector<16xi32>
    %select_n3A_89 = arith.select %lt3A_86, %get3A_84, %broadcast_in_dim3A_88 : vector<16xi1>, vector<16xi32>
    %swap3A_90 = arith.constant 32 : index
    %swap3A_91 = tpu.vector_load %arg7[%swap3A_90] {strides = array<i32>} : memref<1024xi32, #tpu.memory_space<vmem>>, vector<16xi32>,
    tpu.vector_store %arg7[%swap3A_90], %select_n3A_89 {strides = array<i32>} : memref<1024xi32, #tpu.memory_space<vmem>>, vector<16xi32>,
    %add3A_92 = arith.constant 48 : i32
    %add3A_93 = arith.addi %select_n3A_29, %add3A_92 : i32
    %add3A_94 = vector.broadcast %add3A_93 : i32 to vector<16xi32>
    %add3A_95 = arith.addi %iota3A, %add3A_94 : vector<16xi32>
    %get3A_96 = arith.constant 48 : index
    %get3A_97 = tpu.vector_load %arg7[%get3A_96] {strides = array<i32>} : memref<1024xi32, #tpu.memory_space<vmem>>, vector<16xi32>,
    %lt3A_98 = vector.broadcast %reduce_sum3A_53 : i32 to vector<16xi32>
    %lt3A_99 = arith.cmpi slt, %add3A_95, %lt3A_98 : vector<16xi32>
    %jit3A_100 = arith.constant 0 : i32
    %broadcast_in_dim3A_101 = vector.broadcast %jit3A_100 : i32 to vector<16xi32>
    %select_n3A_102 = arith.select %lt3A_99, %get3A_97, %broadcast_in_dim3A_101 : vector<16xi1>, vector<16xi32>
    %swap3A_103 = arith.constant 48 : index
    %swap3A_104 = tpu.vector_load %arg7[%swap3A_103] {strides = array<i32>} : memref<1024xi32, #tpu.memory_space<vmem>>, vector<16xi32>,
    tpu.vector_store %arg7[%swap3A_103], %select_n3A_102 {strides = array<i32>} : memref<1024xi32, #tpu.memory_space<vmem>>, vector<16xi32>,
    %add3A_105 = arith.constant 64 : i32
    %add3A_106 = arith.addi %select_n3A_29, %add3A_105 : i32
    %add3A_107 = vector.broadcast %add3A_106 : i32 to vector<16xi32>
    %add3A_108 = arith.addi %iota3A, %add3A_107 : vector<16xi32>
    %get3A_109 = arith.constant 64 : index
    %get3A_110 = tpu.vector_load %arg7[%get3A_109] {strides = array<i32>} : memref<1024xi32, #tpu.memory_space<vmem>>, vector<16xi32>,
    %lt3A_111 = vector.broadcast %reduce_sum3A_53 : i32 to vector<16xi32>
    %lt3A_112 = arith.cmpi slt, %add3A_108, %lt3A_111 : vector<16xi32>
    %jit3A_113 = arith.constant 0 : i32
    %broadcast_in_dim3A_114 = vector.broadcast %jit3A_113 : i32 to vector<16xi32>
    %select_n3A_115 = arith.select %lt3A_112, %get3A_110, %broadcast_in_dim3A_114 : vector<16xi1>, vector<16xi32>
    %swap3A_116 = arith.constant 64 : index
    %swap3A_117 = tpu.vector_load %arg7[%swap3A_116] {strides = array<i32>} : memref<1024xi32, #tpu.memory_space<vmem>>, vector<16xi32>,
    tpu.vector_store %arg7[%swap3A_116], %select_n3A_115 {strides = array<i32>} : memref<1024xi32, #tpu.memory_space<vmem>>, vector<16xi32>,
    %add3A_118 = arith.constant 80 : i32
    %add3A_119 = arith.addi %select_n3A_29, %add3A_118 : i32
    %add3A_120 = vector.broadcast %add3A_119 : i32 to vector<16xi32>
    %add3A_121 = arith.addi %iota3A, %add3A_120 : vector<16xi32>
    %get3A_122 = arith.constant 80 : index
    %get3A_123 = tpu.vector_load %arg7[%get3A_122] {strides = array<i32>} : memref<1024xi32, #tpu.memory_space<vmem>>, vector<16xi32>,
    %lt3A_124 = vector.broadcast %reduce_sum3A_53 : i32 to vector<16xi32>
    %lt3A_125 = arith.cmpi slt, %add3A_121, %lt3A_124 : vector<16xi32>
    %jit3A_126 = arith.constant 0 : i32
    %broadcast_in_dim3A_127 = vector.broadcast %jit3A_126 : i32 to vector<16xi32>
    %select_n3A_128 = arith.select %lt3A_125, %get3A_123, %broadcast_in_dim3A_127 : vector<16xi1>, vector<16xi32>
    %swap3A_129 = arith.constant 80 : index
    %swap3A_130 = tpu.vector_load %arg7[%swap3A_129] {strides = array<i32>} : memref<1024xi32, #tpu.memory_space<vmem>>, vector<16xi32>,
    tpu.vector_store %arg7[%swap3A_129], %select_n3A_128 {strides = array<i32>} : memref<1024xi32, #tpu.memory_space<vmem>>, vector<16xi32>,
    %add3A_131 = arith.constant 96 : i32
    %add3A_132 = arith.addi %select_n3A_29, %add3A_131 : i32
    %add3A_133 = vector.broadcast %add3A_132 : i32 to vector<16xi32>
    %add3A_134 = arith.addi %iota3A, %add3A_133 : vector<16xi32>
    %get3A_135 = arith.constant 96 : index
    %get3A_136 = tpu.vector_load %arg7[%get3A_135] {strides = array<i32>} : memref<1024xi32, #tpu.memory_space<vmem>>, vector<16xi32>,
    %lt3A_137 = vector.broadcast %reduce_sum3A_53 : i32 to vector<16xi32>
    %lt3A_138 = arith.cmpi slt, %add3A_134, %lt3A_137 : vector<16xi32>
    %jit3A_139 = arith.constant 0 : i32
    %broadcast_in_dim3A_140 = vector.broadcast %jit3A_139 : i32 to vector<16xi32>
    %select_n3A_141 = arith.select %lt3A_138, %get3A_136, %broadcast_in_dim3A_140 : vector<16xi1>, vector<16xi32>
    %swap3A_142 = arith.constant 96 : index
    %swap3A_143 = tpu.vector_load %arg7[%swap3A_142] {strides = array<i32>} : memref<1024xi32, #tpu.memory_space<vmem>>, vector<16xi32>,
    tpu.vector_store %arg7[%swap3A_142], %select_n3A_141 {strides = array<i32>} : memref<1024xi32, #tpu.memory_space<vmem>>, vector<16xi32>,
    %add3A_144 = arith.constant 112 : i32
    %add3A_145 = arith.addi %select_n3A_29, %add3A_144 : i32
    %add3A_146 = vector.broadcast %add3A_145 : i32 to vector<16xi32>
    %add3A_147 = arith.addi %iota3A, %add3A_146 : vector<16xi32>
    %get3A_148 = arith.constant 112 : index
    %get3A_149 = tpu.vector_load %arg7[%get3A_148] {strides = array<i32>} : memref<1024xi32, #tpu.memory_space<vmem>>, vector<16xi32>,
    %lt3A_150 = vector.broadcast %reduce_sum3A_53 : i32 to vector<16xi32>
    %lt3A_151 = arith.cmpi slt, %add3A_147, %lt3A_150 : vector<16xi32>
    %jit3A_152 = arith.constant 0 : i32
    %broadcast_in_dim3A_153 = vector.broadcast %jit3A_152 : i32 to vector<16xi32>
    %select_n3A_154 = arith.select %lt3A_151, %get3A_149, %broadcast_in_dim3A_153 : vector<16xi1>, vector<16xi32>
    %swap3A_155 = arith.constant 112 : index
    %swap3A_156 = tpu.vector_load %arg7[%swap3A_155] {strides = array<i32>} : memref<1024xi32, #tpu.memory_space<vmem>>, vector<16xi32>,
    tpu.vector_store %arg7[%swap3A_155], %select_n3A_154 {strides = array<i32>} : memref<1024xi32, #tpu.memory_space<vmem>>, vector<16xi32>,
    %add3A_157 = arith.constant 128 : i32
    %add3A_158 = arith.addi %select_n3A_29, %add3A_157 : i32
    %add3A_159 = vector.broadcast %add3A_158 : i32 to vector<16xi32>
    %add3A_160 = arith.addi %iota3A, %add3A_159 : vector<16xi32>
    %get3A_161 = arith.constant 128 : index
    %get3A_162 = tpu.vector_load %arg7[%get3A_161] {strides = array<i32>} : memref<1024xi32, #tpu.memory_space<vmem>>, vector<16xi32>,
    %lt3A_163 = vector.broadcast %reduce_sum3A_53 : i32 to vector<16xi32>
    %lt3A_164 = arith.cmpi slt, %add3A_160, %lt3A_163 : vector<16xi32>
    %jit3A_165 = arith.constant 0 : i32
    %broadcast_in_dim3A_166 = vector.broadcast %jit3A_165 : i32 to vector<16xi32>
    %select_n3A_167 = arith.select %lt3A_164, %get3A_162, %broadcast_in_dim3A_166 : vector<16xi1>, vector<16xi32>
    %swap3A_168 = arith.constant 128 : index
    %swap3A_169 = tpu.vector_load %arg7[%swap3A_168] {strides = array<i32>} : memref<1024xi32, #tpu.memory_space<vmem>>, vector<16xi32>,
    tpu.vector_store %arg7[%swap3A_168], %select_n3A_167 {strides = array<i32>} : memref<1024xi32, #tpu.memory_space<vmem>>, vector<16xi32>,
    %add3A_170 = arith.constant 144 : i32
    %add3A_171 = arith.addi %select_n3A_29, %add3A_170 : i32
    %add3A_172 = vector.broadcast %add3A_171 : i32 to vector<16xi32>
    %add3A_173 = arith.addi %iota3A, %add3A_172 : vector<16xi32>
    %get3A_174 = arith.constant 144 : index
    %get3A_175 = tpu.vector_load %arg7[%get3A_174] {strides = array<i32>} : memref<1024xi32, #tpu.memory_space<vmem>>, vector<16xi32>,
    %lt3A_176 = vector.broadcast %reduce_sum3A_53 : i32 to vector<16xi32>
    %lt3A_177 = arith.cmpi slt, %add3A_173, %lt3A_176 : vector<16xi32>
    %jit3A_178 = arith.constant 0 : i32
    %broadcast_in_dim3A_179 = vector.broadcast %jit3A_178 : i32 to vector<16xi32>
    %select_n3A_180 = arith.select %lt3A_177, %get3A_175, %broadcast_in_dim3A_179 : vector<16xi1>, vector<16xi32>
    %swap3A_181 = arith.constant 144 : index
    %swap3A_182 = tpu.vector_load %arg7[%swap3A_181] {strides = array<i32>} : memref<1024xi32, #tpu.memory_space<vmem>>, vector<16xi32>,
    tpu.vector_store %arg7[%swap3A_181], %select_n3A_180 {strides = array<i32>} : memref<1024xi32, #tpu.memory_space<vmem>>, vector<16xi32>,
    %add3A_183 = arith.constant 160 : i32
    %add3A_184 = arith.addi %select_n3A_29, %add3A_183 : i32
    %add3A_185 = vector.broadcast %add3A_184 : i32 to vector<16xi32>
    %add3A_186 = arith.addi %iota3A, %add3A_185 : vector<16xi32>
    %get3A_187 = arith.constant 160 : index
    %get3A_188 = tpu.vector_load %arg7[%get3A_187] {strides = array<i32>} : memref<1024xi32, #tpu.memory_space<vmem>>, vector<16xi32>,
    %lt3A_189 = vector.broadcast %reduce_sum3A_53 : i32 to vector<16xi32>
    %lt3A_190 = arith.cmpi slt, %add3A_186, %lt3A_189 : vector<16xi32>
    %jit3A_191 = arith.constant 0 : i32
    %broadcast_in_dim3A_192 = vector.broadcast %jit3A_191 : i32 to vector<16xi32>
    %select_n3A_193 = arith.select %lt3A_190, %get3A_188, %broadcast_in_dim3A_192 : vector<16xi1>, vector<16xi32>
    %swap3A_194 = arith.constant 160 : index
    %swap3A_195 = tpu.vector_load %arg7[%swap3A_194] {strides = array<i32>} : memref<1024xi32, #tpu.memory_space<vmem>>, vector<16xi32>,
    tpu.vector_store %arg7[%swap3A_194], %select_n3A_193 {strides = array<i32>} : memref<1024xi32, #tpu.memory_space<vmem>>, vector<16xi32>,
    %add3A_196 = arith.constant 176 : i32
    %add3A_197 = arith.addi %select_n3A_29, %add3A_196 : i32
    %add3A_198 = vector.broadcast %add3A_197 : i32 to vector<16xi32>
    %add3A_199 = arith.addi %iota3A, %add3A_198 : vector<16xi32>
    %get3A_200 = arith.constant 176 : index
    %get3A_201 = tpu.vector_load %arg7[%get3A_200] {strides = array<i32>} : memref<1024xi32, #tpu.memory_space<vmem>>, vector<16xi32>,
    %lt3A_202 = vector.broadcast %reduce_sum3A_53 : i32 to vector<16xi32>
    %lt3A_203 = arith.cmpi slt, %add3A_199, %lt3A_202 : vector<16xi32>
    %jit3A_204 = arith.constant 0 : i32
    %broadcast_in_dim3A_205 = vector.broadcast %jit3A_204 : i32 to vector<16xi32>
    %select_n3A_206 = arith.select %lt3A_203, %get3A_201, %broadcast_in_dim3A_205 : vector<16xi1>, vector<16xi32>
    %swap3A_207 = arith.constant 176 : index
    %swap3A_208 = tpu.vector_load %arg7[%swap3A_207] {strides = array<i32>} : memref<1024xi32, #tpu.memory_space<vmem>>, vector<16xi32>,
    tpu.vector_store %arg7[%swap3A_207], %select_n3A_206 {strides = array<i32>} : memref<1024xi32, #tpu.memory_space<vmem>>, vector<16xi32>,
    %add3A_209 = arith.constant 192 : i32
    %add3A_210 = arith.addi %select_n3A_29, %add3A_209 : i32
    %add3A_211 = vector.broadcast %add3A_210 : i32 to vector<16xi32>
    %add3A_212 = arith.addi %iota3A, %add3A_211 : vector<16xi32>
    %get3A_213 = arith.constant 192 : index
    %get3A_214 = tpu.vector_load %arg7[%get3A_213] {strides = array<i32>} : memref<1024xi32, #tpu.memory_space<vmem>>, vector<16xi32>,
    %lt3A_215 = vector.broadcast %reduce_sum3A_53 : i32 to vector<16xi32>
    %lt3A_216 = arith.cmpi slt, %add3A_212, %lt3A_215 : vector<16xi32>
    %jit3A_217 = arith.constant 0 : i32
    %broadcast_in_dim3A_218 = vector.broadcast %jit3A_217 : i32 to vector<16xi32>
    %select_n3A_219 = arith.select %lt3A_216, %get3A_214, %broadcast_in_dim3A_218 : vector<16xi1>, vector<16xi32>
    %swap3A_220 = arith.constant 192 : index
    %swap3A_221 = tpu.vector_load %arg7[%swap3A_220] {strides = array<i32>} : memref<1024xi32, #tpu.memory_space<vmem>>, vector<16xi32>,
    tpu.vector_store %arg7[%swap3A_220], %select_n3A_219 {strides = array<i32>} : memref<1024xi32, #tpu.memory_space<vmem>>, vector<16xi32>,
    %add3A_222 = arith.constant 208 : i32
    %add3A_223 = arith.addi %select_n3A_29, %add3A_222 : i32
    %add3A_224 = vector.broadcast %add3A_223 : i32 to vector<16xi32>
    %add3A_225 = arith.addi %iota3A, %add3A_224 : vector<16xi32>
    %get3A_226 = arith.constant 208 : index
    %get3A_227 = tpu.vector_load %arg7[%get3A_226] {strides = array<i32>} : memref<1024xi32, #tpu.memory_space<vmem>>, vector<16xi32>,
    %lt3A_228 = vector.broadcast %reduce_sum3A_53 : i32 to vector<16xi32>
    %lt3A_229 = arith.cmpi slt, %add3A_225, %lt3A_228 : vector<16xi32>
    %jit3A_230 = arith.constant 0 : i32
    %broadcast_in_dim3A_231 = vector.broadcast %jit3A_230 : i32 to vector<16xi32>
    %select_n3A_232 = arith.select %lt3A_229, %get3A_227, %broadcast_in_dim3A_231 : vector<16xi1>, vector<16xi32>
    %swap3A_233 = arith.constant 208 : index
    %swap3A_234 = tpu.vector_load %arg7[%swap3A_233] {strides = array<i32>} : memref<1024xi32, #tpu.memory_space<vmem>>, vector<16xi32>,
    tpu.vector_store %arg7[%swap3A_233], %select_n3A_232 {strides = array<i32>} : memref<1024xi32, #tpu.memory_space<vmem>>, vector<16xi32>,
    %add3A_235 = arith.constant 224 : i32
    %add3A_236 = arith.addi %select_n3A_29, %add3A_235 : i32
    %add3A_237 = vector.broadcast %add3A_236 : i32 to vector<16xi32>
    %add3A_238 = arith.addi %iota3A, %add3A_237 : vector<16xi32>
    %get3A_239 = arith.constant 224 : index
    %get3A_240 = tpu.vector_load %arg7[%get3A_239] {strides = array<i32>} : memref<1024xi32, #tpu.memory_space<vmem>>, vector<16xi32>,
    %lt3A_241 = vector.broadcast %reduce_sum3A_53 : i32 to vector<16xi32>
    %lt3A_242 = arith.cmpi slt, %add3A_238, %lt3A_241 : vector<16xi32>
    %jit3A_243 = arith.constant 0 : i32
    %broadcast_in_dim3A_244 = vector.broadcast %jit3A_243 : i32 to vector<16xi32>
    %select_n3A_245 = arith.select %lt3A_242, %get3A_240, %broadcast_in_dim3A_244 : vector<16xi1>, vector<16xi32>
    %swap3A_246 = arith.constant 224 : index
    %swap3A_247 = tpu.vector_load %arg7[%swap3A_246] {strides = array<i32>} : memref<1024xi32, #tpu.memory_space<vmem>>, vector<16xi32>,
    tpu.vector_store %arg7[%swap3A_246], %select_n3A_245 {strides = array<i32>} : memref<1024xi32, #tpu.memory_space<vmem>>, vector<16xi32>,
    %add3A_248 = arith.constant 240 : i32
    %add3A_249 = arith.addi %select_n3A_29, %add3A_248 : i32
    %add3A_250 = vector.broadcast %add3A_249 : i32 to vector<16xi32>
    %add3A_251 = arith.addi %iota3A, %add3A_250 : vector<16xi32>
    %get3A_252 = arith.constant 240 : index
    %get3A_253 = tpu.vector_load %arg7[%get3A_252] {strides = array<i32>} : memref<1024xi32, #tpu.memory_space<vmem>>, vector<16xi32>,
    %lt3A_254 = vector.broadcast %reduce_sum3A_53 : i32 to vector<16xi32>
    %lt3A_255 = arith.cmpi slt, %add3A_251, %lt3A_254 : vector<16xi32>
    %jit3A_256 = arith.constant 0 : i32
    %broadcast_in_dim3A_257 = vector.broadcast %jit3A_256 : i32 to vector<16xi32>
    %select_n3A_258 = arith.select %lt3A_255, %get3A_253, %broadcast_in_dim3A_257 : vector<16xi1>, vector<16xi32>
    %swap3A_259 = arith.constant 240 : index
    %swap3A_260 = tpu.vector_load %arg7[%swap3A_259] {strides = array<i32>} : memref<1024xi32, #tpu.memory_space<vmem>>, vector<16xi32>,
    tpu.vector_store %arg7[%swap3A_259], %select_n3A_258 {strides = array<i32>} : memref<1024xi32, #tpu.memory_space<vmem>>, vector<16xi32>,
    %add3A_261 = arith.constant 256 : i32
    %add3A_262 = arith.addi %select_n3A_29, %add3A_261 : i32
    %add3A_263 = vector.broadcast %add3A_262 : i32 to vector<16xi32>
    %add3A_264 = arith.addi %iota3A, %add3A_263 : vector<16xi32>
    %get3A_265 = arith.constant 256 : index
    %get3A_266 = tpu.vector_load %arg7[%get3A_265] {strides = array<i32>} : memref<1024xi32, #tpu.memory_space<vmem>>, vector<16xi32>,
    %lt3A_267 = vector.broadcast %reduce_sum3A_53 : i32 to vector<16xi32>
    %lt3A_268 = arith.cmpi slt, %add3A_264, %lt3A_267 : vector<16xi32>
    %jit3A_269 = arith.constant 0 : i32
    %broadcast_in_dim3A_270 = vector.broadcast %jit3A_269 : i32 to vector<16xi32>
    %select_n3A_271 = arith.select %lt3A_268, %get3A_266, %broadcast_in_dim3A_270 : vector<16xi1>, vector<16xi32>
    %swap3A_272 = arith.constant 256 : index
    %swap3A_273 = tpu.vector_load %arg7[%swap3A_272] {strides = array<i32>} : memref<1024xi32, #tpu.memory_space<vmem>>, vector<16xi32>,
    tpu.vector_store %arg7[%swap3A_272], %select_n3A_271 {strides = array<i32>} : memref<1024xi32, #tpu.memory_space<vmem>>, vector<16xi32>,
    %add3A_274 = arith.constant 272 : i32
    %add3A_275 = arith.addi %select_n3A_29, %add3A_274 : i32
    %add3A_276 = vector.broadcast %add3A_275 : i32 to vector<16xi32>
    %add3A_277 = arith.addi %iota3A, %add3A_276 : vector<16xi32>
    %get3A_278 = arith.constant 272 : index
    %get3A_279 = tpu.vector_load %arg7[%get3A_278] {strides = array<i32>} : memref<1024xi32, #tpu.memory_space<vmem>>, vector<16xi32>,
    %lt3A_280 = vector.broadcast %reduce_sum3A_53 : i32 to vector<16xi32>
    %lt3A_281 = arith.cmpi slt, %add3A_277, %lt3A_280 : vector<16xi32>
    %jit3A_282 = arith.constant 0 : i32
    %broadcast_in_dim3A_283 = vector.broadcast %jit3A_282 : i32 to vector<16xi32>
    %select_n3A_284 = arith.select %lt3A_281, %get3A_279, %broadcast_in_dim3A_283 : vector<16xi1>, vector<16xi32>
    %swap3A_285 = arith.constant 272 : index
    %swap3A_286 = tpu.vector_load %arg7[%swap3A_285] {strides = array<i32>} : memref<1024xi32, #tpu.memory_space<vmem>>, vector<16xi32>,
    tpu.vector_store %arg7[%swap3A_285], %select_n3A_284 {strides = array<i32>} : memref<1024xi32, #tpu.memory_space<vmem>>, vector<16xi32>,
    %add3A_287 = arith.constant 288 : i32
    %add3A_288 = arith.addi %select_n3A_29, %add3A_287 : i32
    %add3A_289 = vector.broadcast %add3A_288 : i32 to vector<16xi32>
    %add3A_290 = arith.addi %iota3A, %add3A_289 : vector<16xi32>
    %get3A_291 = arith.constant 288 : index
    %get3A_292 = tpu.vector_load %arg7[%get3A_291] {strides = array<i32>} : memref<1024xi32, #tpu.memory_space<vmem>>, vector<16xi32>,
    %lt3A_293 = vector.broadcast %reduce_sum3A_53 : i32 to vector<16xi32>
    %lt3A_294 = arith.cmpi slt, %add3A_290, %lt3A_293 : vector<16xi32>
    %jit3A_295 = arith.constant 0 : i32
    %broadcast_in_dim3A_296 = vector.broadcast %jit3A_295 : i32 to vector<16xi32>
    %select_n3A_297 = arith.select %lt3A_294, %get3A_292, %broadcast_in_dim3A_296 : vector<16xi1>, vector<16xi32>
    %swap3A_298 = arith.constant 288 : index
    %swap3A_299 = tpu.vector_load %arg7[%swap3A_298] {strides = array<i32>} : memref<1024xi32, #tpu.memory_space<vmem>>, vector<16xi32>,
    tpu.vector_store %arg7[%swap3A_298], %select_n3A_297 {strides = array<i32>} : memref<1024xi32, #tpu.memory_space<vmem>>, vector<16xi32>,
    %add3A_300 = arith.constant 304 : i32
    %add3A_301 = arith.addi %select_n3A_29, %add3A_300 : i32
    %add3A_302 = vector.broadcast %add3A_301 : i32 to vector<16xi32>
    %add3A_303 = arith.addi %iota3A, %add3A_302 : vector<16xi32>
    %get3A_304 = arith.constant 304 : index
    %get3A_305 = tpu.vector_load %arg7[%get3A_304] {strides = array<i32>} : memref<1024xi32, #tpu.memory_space<vmem>>, vector<16xi32>,
    %lt3A_306 = vector.broadcast %reduce_sum3A_53 : i32 to vector<16xi32>
    %lt3A_307 = arith.cmpi slt, %add3A_303, %lt3A_306 : vector<16xi32>
    %jit3A_308 = arith.constant 0 : i32
    %broadcast_in_dim3A_309 = vector.broadcast %jit3A_308 : i32 to vector<16xi32>
    %select_n3A_310 = arith.select %lt3A_307, %get3A_305, %broadcast_in_dim3A_309 : vector<16xi1>, vector<16xi32>
    %swap3A_311 = arith.constant 304 : index
    %swap3A_312 = tpu.vector_load %arg7[%swap3A_311] {strides = array<i32>} : memref<1024xi32, #tpu.memory_space<vmem>>, vector<16xi32>,
    tpu.vector_store %arg7[%swap3A_311], %select_n3A_310 {strides = array<i32>} : memref<1024xi32, #tpu.memory_space<vmem>>, vector<16xi32>,
    %add3A_313 = arith.constant 320 : i32
    %add3A_314 = arith.addi %select_n3A_29, %add3A_313 : i32
    %add3A_315 = vector.broadcast %add3A_314 : i32 to vector<16xi32>
    %add3A_316 = arith.addi %iota3A, %add3A_315 : vector<16xi32>
    %get3A_317 = arith.constant 320 : index
    %get3A_318 = tpu.vector_load %arg7[%get3A_317] {strides = array<i32>} : memref<1024xi32, #tpu.memory_space<vmem>>, vector<16xi32>,
    %lt3A_319 = vector.broadcast %reduce_sum3A_53 : i32 to vector<16xi32>
    %lt3A_320 = arith.cmpi slt, %add3A_316, %lt3A_319 : vector<16xi32>
    %jit3A_321 = arith.constant 0 : i32
    %broadcast_in_dim3A_322 = vector.broadcast %jit3A_321 : i32 to vector<16xi32>
    %select_n3A_323 = arith.select %lt3A_320, %get3A_318, %broadcast_in_dim3A_322 : vector<16xi1>, vector<16xi32>
    %swap3A_324 = arith.constant 320 : index
    %swap3A_325 = tpu.vector_load %arg7[%swap3A_324] {strides = array<i32>} : memref<1024xi32, #tpu.memory_space<vmem>>, vector<16xi32>,
    tpu.vector_store %arg7[%swap3A_324], %select_n3A_323 {strides = array<i32>} : memref<1024xi32, #tpu.memory_space<vmem>>, vector<16xi32>,
    %add3A_326 = arith.constant 336 : i32
    %add3A_327 = arith.addi %select_n3A_29, %add3A_326 : i32
    %add3A_328 = vector.broadcast %add3A_327 : i32 to vector<16xi32>
    %add3A_329 = arith.addi %iota3A, %add3A_328 : vector<16xi32>
    %get3A_330 = arith.constant 336 : index
    %get3A_331 = tpu.vector_load %arg7[%get3A_330] {strides = array<i32>} : memref<1024xi32, #tpu.memory_space<vmem>>, vector<16xi32>,
    %lt3A_332 = vector.broadcast %reduce_sum3A_53 : i32 to vector<16xi32>
    %lt3A_333 = arith.cmpi slt, %add3A_329, %lt3A_332 : vector<16xi32>
    %jit3A_334 = arith.constant 0 : i32
    %broadcast_in_dim3A_335 = vector.broadcast %jit3A_334 : i32 to vector<16xi32>
    %select_n3A_336 = arith.select %lt3A_333, %get3A_331, %broadcast_in_dim3A_335 : vector<16xi1>, vector<16xi32>
    %swap3A_337 = arith.constant 336 : index
    %swap3A_338 = tpu.vector_load %arg7[%swap3A_337] {strides = array<i32>} : memref<1024xi32, #tpu.memory_space<vmem>>, vector<16xi32>,
    tpu.vector_store %arg7[%swap3A_337], %select_n3A_336 {strides = array<i32>} : memref<1024xi32, #tpu.memory_space<vmem>>, vector<16xi32>,
    %add3A_339 = arith.constant 352 : i32
    %add3A_340 = arith.addi %select_n3A_29, %add3A_339 : i32
    %add3A_341 = vector.broadcast %add3A_340 : i32 to vector<16xi32>
    %add3A_342 = arith.addi %iota3A, %add3A_341 : vector<16xi32>
    %get3A_343 = arith.constant 352 : index
    %get3A_344 = tpu.vector_load %arg7[%get3A_343] {strides = array<i32>} : memref<1024xi32, #tpu.memory_space<vmem>>, vector<16xi32>,
    %lt3A_345 = vector.broadcast %reduce_sum3A_53 : i32 to vector<16xi32>
    %lt3A_346 = arith.cmpi slt, %add3A_342, %lt3A_345 : vector<16xi32>
    %jit3A_347 = arith.constant 0 : i32
    %broadcast_in_dim3A_348 = vector.broadcast %jit3A_347 : i32 to vector<16xi32>
    %select_n3A_349 = arith.select %lt3A_346, %get3A_344, %broadcast_in_dim3A_348 : vector<16xi1>, vector<16xi32>
    %swap3A_350 = arith.constant 352 : index
    %swap3A_351 = tpu.vector_load %arg7[%swap3A_350] {strides = array<i32>} : memref<1024xi32, #tpu.memory_space<vmem>>, vector<16xi32>,
    tpu.vector_store %arg7[%swap3A_350], %select_n3A_349 {strides = array<i32>} : memref<1024xi32, #tpu.memory_space<vmem>>, vector<16xi32>,
    %add3A_352 = arith.constant 368 : i32
    %add3A_353 = arith.addi %select_n3A_29, %add3A_352 : i32
    %add3A_354 = vector.broadcast %add3A_353 : i32 to vector<16xi32>
    %add3A_355 = arith.addi %iota3A, %add3A_354 : vector<16xi32>
    %get3A_356 = arith.constant 368 : index
    %get3A_357 = tpu.vector_load %arg7[%get3A_356] {strides = array<i32>} : memref<1024xi32, #tpu.memory_space<vmem>>, vector<16xi32>,
    %lt3A_358 = vector.broadcast %reduce_sum3A_53 : i32 to vector<16xi32>
    %lt3A_359 = arith.cmpi slt, %add3A_355, %lt3A_358 : vector<16xi32>
    %jit3A_360 = arith.constant 0 : i32
    %broadcast_in_dim3A_361 = vector.broadcast %jit3A_360 : i32 to vector<16xi32>
    %select_n3A_362 = arith.select %lt3A_359, %get3A_357, %broadcast_in_dim3A_361 : vector<16xi1>, vector<16xi32>
    %swap3A_363 = arith.constant 368 : index
    %swap3A_364 = tpu.vector_load %arg7[%swap3A_363] {strides = array<i32>} : memref<1024xi32, #tpu.memory_space<vmem>>, vector<16xi32>,
    tpu.vector_store %arg7[%swap3A_363], %select_n3A_362 {strides = array<i32>} : memref<1024xi32, #tpu.memory_space<vmem>>, vector<16xi32>,
    %add3A_365 = arith.constant 384 : i32
    %add3A_366 = arith.addi %select_n3A_29, %add3A_365 : i32
    %add3A_367 = vector.broadcast %add3A_366 : i32 to vector<16xi32>
    %add3A_368 = arith.addi %iota3A, %add3A_367 : vector<16xi32>
    %get3A_369 = arith.constant 384 : index
    %get3A_370 = tpu.vector_load %arg7[%get3A_369] {strides = array<i32>} : memref<1024xi32, #tpu.memory_space<vmem>>, vector<16xi32>,
    %lt3A_371 = vector.broadcast %reduce_sum3A_53 : i32 to vector<16xi32>
    %lt3A_372 = arith.cmpi slt, %add3A_368, %lt3A_371 : vector<16xi32>
    %jit3A_373 = arith.constant 0 : i32
    %broadcast_in_dim3A_374 = vector.broadcast %jit3A_373 : i32 to vector<16xi32>
    %select_n3A_375 = arith.select %lt3A_372, %get3A_370, %broadcast_in_dim3A_374 : vector<16xi1>, vector<16xi32>
    %swap3A_376 = arith.constant 384 : index
    %swap3A_377 = tpu.vector_load %arg7[%swap3A_376] {strides = array<i32>} : memref<1024xi32, #tpu.memory_space<vmem>>, vector<16xi32>,
    tpu.vector_store %arg7[%swap3A_376], %select_n3A_375 {strides = array<i32>} : memref<1024xi32, #tpu.memory_space<vmem>>, vector<16xi32>,
    %add3A_378 = arith.constant 400 : i32
    %add3A_379 = arith.addi %select_n3A_29, %add3A_378 : i32
    %add3A_380 = vector.broadcast %add3A_379 : i32 to vector<16xi32>
    %add3A_381 = arith.addi %iota3A, %add3A_380 : vector<16xi32>
    %get3A_382 = arith.constant 400 : index
    %get3A_383 = tpu.vector_load %arg7[%get3A_382] {strides = array<i32>} : memref<1024xi32, #tpu.memory_space<vmem>>, vector<16xi32>,
    %lt3A_384 = vector.broadcast %reduce_sum3A_53 : i32 to vector<16xi32>
    %lt3A_385 = arith.cmpi slt, %add3A_381, %lt3A_384 : vector<16xi32>
    %jit3A_386 = arith.constant 0 : i32
    %broadcast_in_dim3A_387 = vector.broadcast %jit3A_386 : i32 to vector<16xi32>
    %select_n3A_388 = arith.select %lt3A_385, %get3A_383, %broadcast_in_dim3A_387 : vector<16xi1>, vector<16xi32>
    %swap3A_389 = arith.constant 400 : index
    %swap3A_390 = tpu.vector_load %arg7[%swap3A_389] {strides = array<i32>} : memref<1024xi32, #tpu.memory_space<vmem>>, vector<16xi32>,
    tpu.vector_store %arg7[%swap3A_389], %select_n3A_388 {strides = array<i32>} : memref<1024xi32, #tpu.memory_space<vmem>>, vector<16xi32>,
    %add3A_391 = arith.constant 416 : i32
    %add3A_392 = arith.addi %select_n3A_29, %add3A_391 : i32
    %add3A_393 = vector.broadcast %add3A_392 : i32 to vector<16xi32>
    %add3A_394 = arith.addi %iota3A, %add3A_393 : vector<16xi32>
    %get3A_395 = arith.constant 416 : index
    %get3A_396 = tpu.vector_load %arg7[%get3A_395] {strides = array<i32>} : memref<1024xi32, #tpu.memory_space<vmem>>, vector<16xi32>,
    %lt3A_397 = vector.broadcast %reduce_sum3A_53 : i32 to vector<16xi32>
    %lt3A_398 = arith.cmpi slt, %add3A_394, %lt3A_397 : vector<16xi32>
    %jit3A_399 = arith.constant 0 : i32
    %broadcast_in_dim3A_400 = vector.broadcast %jit3A_399 : i32 to vector<16xi32>
    %select_n3A_401 = arith.select %lt3A_398, %get3A_396, %broadcast_in_dim3A_400 : vector<16xi1>, vector<16xi32>
    %swap3A_402 = arith.constant 416 : index
    %swap3A_403 = tpu.vector_load %arg7[%swap3A_402] {strides = array<i32>} : memref<1024xi32, #tpu.memory_space<vmem>>, vector<16xi32>,
    tpu.vector_store %arg7[%swap3A_402], %select_n3A_401 {strides = array<i32>} : memref<1024xi32, #tpu.memory_space<vmem>>, vector<16xi32>,
    %add3A_404 = arith.constant 432 : i32
    %add3A_405 = arith.addi %select_n3A_29, %add3A_404 : i32
    %add3A_406 = vector.broadcast %add3A_405 : i32 to vector<16xi32>
    %add3A_407 = arith.addi %iota3A, %add3A_406 : vector<16xi32>
    %get3A_408 = arith.constant 432 : index
    %get3A_409 = tpu.vector_load %arg7[%get3A_408] {strides = array<i32>} : memref<1024xi32, #tpu.memory_space<vmem>>, vector<16xi32>,
    %lt3A_410 = vector.broadcast %reduce_sum3A_53 : i32 to vector<16xi32>
    %lt3A_411 = arith.cmpi slt, %add3A_407, %lt3A_410 : vector<16xi32>
    %jit3A_412 = arith.constant 0 : i32
    %broadcast_in_dim3A_413 = vector.broadcast %jit3A_412 : i32 to vector<16xi32>
    %select_n3A_414 = arith.select %lt3A_411, %get3A_409, %broadcast_in_dim3A_413 : vector<16xi1>, vector<16xi32>
    %swap3A_415 = arith.constant 432 : index
    %swap3A_416 = tpu.vector_load %arg7[%swap3A_415] {strides = array<i32>} : memref<1024xi32, #tpu.memory_space<vmem>>, vector<16xi32>,
    tpu.vector_store %arg7[%swap3A_415], %select_n3A_414 {strides = array<i32>} : memref<1024xi32, #tpu.memory_space<vmem>>, vector<16xi32>,
    %add3A_417 = arith.constant 448 : i32
    %add3A_418 = arith.addi %select_n3A_29, %add3A_417 : i32
    %add3A_419 = vector.broadcast %add3A_418 : i32 to vector<16xi32>
    %add3A_420 = arith.addi %iota3A, %add3A_419 : vector<16xi32>
    %get3A_421 = arith.constant 448 : index
    %get3A_422 = tpu.vector_load %arg7[%get3A_421] {strides = array<i32>} : memref<1024xi32, #tpu.memory_space<vmem>>, vector<16xi32>,
    %lt3A_423 = vector.broadcast %reduce_sum3A_53 : i32 to vector<16xi32>
    %lt3A_424 = arith.cmpi slt, %add3A_420, %lt3A_423 : vector<16xi32>
    %jit3A_425 = arith.constant 0 : i32
    %broadcast_in_dim3A_426 = vector.broadcast %jit3A_425 : i32 to vector<16xi32>
    %select_n3A_427 = arith.select %lt3A_424, %get3A_422, %broadcast_in_dim3A_426 : vector<16xi1>, vector<16xi32>
    %swap3A_428 = arith.constant 448 : index
    %swap3A_429 = tpu.vector_load %arg7[%swap3A_428] {strides = array<i32>} : memref<1024xi32, #tpu.memory_space<vmem>>, vector<16xi32>,
    tpu.vector_store %arg7[%swap3A_428], %select_n3A_427 {strides = array<i32>} : memref<1024xi32, #tpu.memory_space<vmem>>, vector<16xi32>,
    %add3A_430 = arith.constant 464 : i32
    %add3A_431 = arith.addi %select_n3A_29, %add3A_430 : i32
    %add3A_432 = vector.broadcast %add3A_431 : i32 to vector<16xi32>
    %add3A_433 = arith.addi %iota3A, %add3A_432 : vector<16xi32>
    %get3A_434 = arith.constant 464 : index
    %get3A_435 = tpu.vector_load %arg7[%get3A_434] {strides = array<i32>} : memref<1024xi32, #tpu.memory_space<vmem>>, vector<16xi32>,
    %lt3A_436 = vector.broadcast %reduce_sum3A_53 : i32 to vector<16xi32>
    %lt3A_437 = arith.cmpi slt, %add3A_433, %lt3A_436 : vector<16xi32>
    %jit3A_438 = arith.constant 0 : i32
    %broadcast_in_dim3A_439 = vector.broadcast %jit3A_438 : i32 to vector<16xi32>
    %select_n3A_440 = arith.select %lt3A_437, %get3A_435, %broadcast_in_dim3A_439 : vector<16xi1>, vector<16xi32>
    %swap3A_441 = arith.constant 464 : index
    %swap3A_442 = tpu.vector_load %arg7[%swap3A_441] {strides = array<i32>} : memref<1024xi32, #tpu.memory_space<vmem>>, vector<16xi32>,
    tpu.vector_store %arg7[%swap3A_441], %select_n3A_440 {strides = array<i32>} : memref<1024xi32, #tpu.memory_space<vmem>>, vector<16xi32>,
    %add3A_443 = arith.constant 480 : i32
    %add3A_444 = arith.addi %select_n3A_29, %add3A_443 : i32
    %add3A_445 = vector.broadcast %add3A_444 : i32 to vector<16xi32>
    %add3A_446 = arith.addi %iota3A, %add3A_445 : vector<16xi32>
    %get3A_447 = arith.constant 480 : index
    %get3A_448 = tpu.vector_load %arg7[%get3A_447] {strides = array<i32>} : memref<1024xi32, #tpu.memory_space<vmem>>, vector<16xi32>,
    %lt3A_449 = vector.broadcast %reduce_sum3A_53 : i32 to vector<16xi32>
    %lt3A_450 = arith.cmpi slt, %add3A_446, %lt3A_449 : vector<16xi32>
    %jit3A_451 = arith.constant 0 : i32
    %broadcast_in_dim3A_452 = vector.broadcast %jit3A_451 : i32 to vector<16xi32>
    %select_n3A_453 = arith.select %lt3A_450, %get3A_448, %broadcast_in_dim3A_452 : vector<16xi1>, vector<16xi32>
    %swap3A_454 = arith.constant 480 : index
    %swap3A_455 = tpu.vector_load %arg7[%swap3A_454] {strides = array<i32>} : memref<1024xi32, #tpu.memory_space<vmem>>, vector<16xi32>,
    tpu.vector_store %arg7[%swap3A_454], %select_n3A_453 {strides = array<i32>} : memref<1024xi32, #tpu.memory_space<vmem>>, vector<16xi32>,
    %add3A_456 = arith.constant 496 : i32
    %add3A_457 = arith.addi %select_n3A_29, %add3A_456 : i32
    %add3A_458 = vector.broadcast %add3A_457 : i32 to vector<16xi32>
    %add3A_459 = arith.addi %iota3A, %add3A_458 : vector<16xi32>
    %get3A_460 = arith.constant 496 : index
    %get3A_461 = tpu.vector_load %arg7[%get3A_460] {strides = array<i32>} : memref<1024xi32, #tpu.memory_space<vmem>>, vector<16xi32>,
    %lt3A_462 = vector.broadcast %reduce_sum3A_53 : i32 to vector<16xi32>
    %lt3A_463 = arith.cmpi slt, %add3A_459, %lt3A_462 : vector<16xi32>
    %jit3A_464 = arith.constant 0 : i32
    %broadcast_in_dim3A_465 = vector.broadcast %jit3A_464 : i32 to vector<16xi32>
    %select_n3A_466 = arith.select %lt3A_463, %get3A_461, %broadcast_in_dim3A_465 : vector<16xi1>, vector<16xi32>
    %swap3A_467 = arith.constant 496 : index
    %swap3A_468 = tpu.vector_load %arg7[%swap3A_467] {strides = array<i32>} : memref<1024xi32, #tpu.memory_space<vmem>>, vector<16xi32>,
    tpu.vector_store %arg7[%swap3A_467], %select_n3A_466 {strides = array<i32>} : memref<1024xi32, #tpu.memory_space<vmem>>, vector<16xi32>,
    %add3A_469 = arith.constant 512 : i32
    %add3A_470 = arith.addi %select_n3A_29, %add3A_469 : i32
    %add3A_471 = vector.broadcast %add3A_470 : i32 to vector<16xi32>
    %add3A_472 = arith.addi %iota3A, %add3A_471 : vector<16xi32>
    %get3A_473 = arith.constant 512 : index
    %get3A_474 = tpu.vector_load %arg7[%get3A_473] {strides = array<i32>} : memref<1024xi32, #tpu.memory_space<vmem>>, vector<16xi32>,
    %lt3A_475 = vector.broadcast %reduce_sum3A_53 : i32 to vector<16xi32>
    %lt3A_476 = arith.cmpi slt, %add3A_472, %lt3A_475 : vector<16xi32>
    %jit3A_477 = arith.constant 0 : i32
    %broadcast_in_dim3A_478 = vector.broadcast %jit3A_477 : i32 to vector<16xi32>
    %select_n3A_479 = arith.select %lt3A_476, %get3A_474, %broadcast_in_dim3A_478 : vector<16xi1>, vector<16xi32>
    %swap3A_480 = arith.constant 512 : index
    %swap3A_481 = tpu.vector_load %arg7[%swap3A_480] {strides = array<i32>} : memref<1024xi32, #tpu.memory_space<vmem>>, vector<16xi32>,
    tpu.vector_store %arg7[%swap3A_480], %select_n3A_479 {strides = array<i32>} : memref<1024xi32, #tpu.memory_space<vmem>>, vector<16xi32>,
    %add3A_482 = arith.constant 528 : i32
    %add3A_483 = arith.addi %select_n3A_29, %add3A_482 : i32
    %add3A_484 = vector.broadcast %add3A_483 : i32 to vector<16xi32>
    %add3A_485 = arith.addi %iota3A, %add3A_484 : vector<16xi32>
    %get3A_486 = arith.constant 528 : index
    %get3A_487 = tpu.vector_load %arg7[%get3A_486] {strides = array<i32>} : memref<1024xi32, #tpu.memory_space<vmem>>, vector<16xi32>,
    %lt3A_488 = vector.broadcast %reduce_sum3A_53 : i32 to vector<16xi32>
    %lt3A_489 = arith.cmpi slt, %add3A_485, %lt3A_488 : vector<16xi32>
    %jit3A_490 = arith.constant 0 : i32
    %broadcast_in_dim3A_491 = vector.broadcast %jit3A_490 : i32 to vector<16xi32>
    %select_n3A_492 = arith.select %lt3A_489, %get3A_487, %broadcast_in_dim3A_491 : vector<16xi1>, vector<16xi32>
    %swap3A_493 = arith.constant 528 : index
    %swap3A_494 = tpu.vector_load %arg7[%swap3A_493] {strides = array<i32>} : memref<1024xi32, #tpu.memory_space<vmem>>, vector<16xi32>,
    tpu.vector_store %arg7[%swap3A_493], %select_n3A_492 {strides = array<i32>} : memref<1024xi32, #tpu.memory_space<vmem>>, vector<16xi32>,
    %add3A_495 = arith.constant 544 : i32
    %add3A_496 = arith.addi %select_n3A_29, %add3A_495 : i32
    %add3A_497 = vector.broadcast %add3A_496 : i32 to vector<16xi32>
    %add3A_498 = arith.addi %iota3A, %add3A_497 : vector<16xi32>
    %get3A_499 = arith.constant 544 : index
    %get3A_500 = tpu.vector_load %arg7[%get3A_499] {strides = array<i32>} : memref<1024xi32, #tpu.memory_space<vmem>>, vector<16xi32>,
    %lt3A_501 = vector.broadcast %reduce_sum3A_53 : i32 to vector<16xi32>
    %lt3A_502 = arith.cmpi slt, %add3A_498, %lt3A_501 : vector<16xi32>
    %jit3A_503 = arith.constant 0 : i32
    %broadcast_in_dim3A_504 = vector.broadcast %jit3A_503 : i32 to vector<16xi32>
    %select_n3A_505 = arith.select %lt3A_502, %get3A_500, %broadcast_in_dim3A_504 : vector<16xi1>, vector<16xi32>
    %swap3A_506 = arith.constant 544 : index
    %swap3A_507 = tpu.vector_load %arg7[%swap3A_506] {strides = array<i32>} : memref<1024xi32, #tpu.memory_space<vmem>>, vector<16xi32>,
    tpu.vector_store %arg7[%swap3A_506], %select_n3A_505 {strides = array<i32>} : memref<1024xi32, #tpu.memory_space<vmem>>, vector<16xi32>,
    %add3A_508 = arith.constant 560 : i32
    %add3A_509 = arith.addi %select_n3A_29, %add3A_508 : i32
    %add3A_510 = vector.broadcast %add3A_509 : i32 to vector<16xi32>
    %add3A_511 = arith.addi %iota3A, %add3A_510 : vector<16xi32>
    %get3A_512 = arith.constant 560 : index
    %get3A_513 = tpu.vector_load %arg7[%get3A_512] {strides = array<i32>} : memref<1024xi32, #tpu.memory_space<vmem>>, vector<16xi32>,
    %lt3A_514 = vector.broadcast %reduce_sum3A_53 : i32 to vector<16xi32>
    %lt3A_515 = arith.cmpi slt, %add3A_511, %lt3A_514 : vector<16xi32>
    %jit3A_516 = arith.constant 0 : i32
    %broadcast_in_dim3A_517 = vector.broadcast %jit3A_516 : i32 to vector<16xi32>
    %select_n3A_518 = arith.select %lt3A_515, %get3A_513, %broadcast_in_dim3A_517 : vector<16xi1>, vector<16xi32>
    %swap3A_519 = arith.constant 560 : index
    %swap3A_520 = tpu.vector_load %arg7[%swap3A_519] {strides = array<i32>} : memref<1024xi32, #tpu.memory_space<vmem>>, vector<16xi32>,
    tpu.vector_store %arg7[%swap3A_519], %select_n3A_518 {strides = array<i32>} : memref<1024xi32, #tpu.memory_space<vmem>>, vector<16xi32>,
    %add3A_521 = arith.constant 576 : i32
    %add3A_522 = arith.addi %select_n3A_29, %add3A_521 : i32
    %add3A_523 = vector.broadcast %add3A_522 : i32 to vector<16xi32>
    %add3A_524 = arith.addi %iota3A, %add3A_523 : vector<16xi32>
    %get3A_525 = arith.constant 576 : index
    %get3A_526 = tpu.vector_load %arg7[%get3A_525] {strides = array<i32>} : memref<1024xi32, #tpu.memory_space<vmem>>, vector<16xi32>,
    %lt3A_527 = vector.broadcast %reduce_sum3A_53 : i32 to vector<16xi32>
    %lt3A_528 = arith.cmpi slt, %add3A_524, %lt3A_527 : vector<16xi32>
    %jit3A_529 = arith.constant 0 : i32
    %broadcast_in_dim3A_530 = vector.broadcast %jit3A_529 : i32 to vector<16xi32>
    %select_n3A_531 = arith.select %lt3A_528, %get3A_526, %broadcast_in_dim3A_530 : vector<16xi1>, vector<16xi32>
    %swap3A_532 = arith.constant 576 : index
    %swap3A_533 = tpu.vector_load %arg7[%swap3A_532] {strides = array<i32>} : memref<1024xi32, #tpu.memory_space<vmem>>, vector<16xi32>,
    tpu.vector_store %arg7[%swap3A_532], %select_n3A_531 {strides = array<i32>} : memref<1024xi32, #tpu.memory_space<vmem>>, vector<16xi32>,
    %add3A_534 = arith.constant 592 : i32
    %add3A_535 = arith.addi %select_n3A_29, %add3A_534 : i32
    %add3A_536 = vector.broadcast %add3A_535 : i32 to vector<16xi32>
    %add3A_537 = arith.addi %iota3A, %add3A_536 : vector<16xi32>
    %get3A_538 = arith.constant 592 : index
    %get3A_539 = tpu.vector_load %arg7[%get3A_538] {strides = array<i32>} : memref<1024xi32, #tpu.memory_space<vmem>>, vector<16xi32>,
    %lt3A_540 = vector.broadcast %reduce_sum3A_53 : i32 to vector<16xi32>
    %lt3A_541 = arith.cmpi slt, %add3A_537, %lt3A_540 : vector<16xi32>
    %jit3A_542 = arith.constant 0 : i32
    %broadcast_in_dim3A_543 = vector.broadcast %jit3A_542 : i32 to vector<16xi32>
    %select_n3A_544 = arith.select %lt3A_541, %get3A_539, %broadcast_in_dim3A_543 : vector<16xi1>, vector<16xi32>
    %swap3A_545 = arith.constant 592 : index
    %swap3A_546 = tpu.vector_load %arg7[%swap3A_545] {strides = array<i32>} : memref<1024xi32, #tpu.memory_space<vmem>>, vector<16xi32>,
    tpu.vector_store %arg7[%swap3A_545], %select_n3A_544 {strides = array<i32>} : memref<1024xi32, #tpu.memory_space<vmem>>, vector<16xi32>,
    %add3A_547 = arith.constant 608 : i32
    %add3A_548 = arith.addi %select_n3A_29, %add3A_547 : i32
    %add3A_549 = vector.broadcast %add3A_548 : i32 to vector<16xi32>
    %add3A_550 = arith.addi %iota3A, %add3A_549 : vector<16xi32>
    %get3A_551 = arith.constant 608 : index
    %get3A_552 = tpu.vector_load %arg7[%get3A_551] {strides = array<i32>} : memref<1024xi32, #tpu.memory_space<vmem>>, vector<16xi32>,
    %lt3A_553 = vector.broadcast %reduce_sum3A_53 : i32 to vector<16xi32>
    %lt3A_554 = arith.cmpi slt, %add3A_550, %lt3A_553 : vector<16xi32>
    %jit3A_555 = arith.constant 0 : i32
    %broadcast_in_dim3A_556 = vector.broadcast %jit3A_555 : i32 to vector<16xi32>
    %select_n3A_557 = arith.select %lt3A_554, %get3A_552, %broadcast_in_dim3A_556 : vector<16xi1>, vector<16xi32>
    %swap3A_558 = arith.constant 608 : index
    %swap3A_559 = tpu.vector_load %arg7[%swap3A_558] {strides = array<i32>} : memref<1024xi32, #tpu.memory_space<vmem>>, vector<16xi32>,
    tpu.vector_store %arg7[%swap3A_558], %select_n3A_557 {strides = array<i32>} : memref<1024xi32, #tpu.memory_space<vmem>>, vector<16xi32>,
    %add3A_560 = arith.constant 624 : i32
    %add3A_561 = arith.addi %select_n3A_29, %add3A_560 : i32
    %add3A_562 = vector.broadcast %add3A_561 : i32 to vector<16xi32>
    %add3A_563 = arith.addi %iota3A, %add3A_562 : vector<16xi32>
    %get3A_564 = arith.constant 624 : index
    %get3A_565 = tpu.vector_load %arg7[%get3A_564] {strides = array<i32>} : memref<1024xi32, #tpu.memory_space<vmem>>, vector<16xi32>,
    %lt3A_566 = vector.broadcast %reduce_sum3A_53 : i32 to vector<16xi32>
    %lt3A_567 = arith.cmpi slt, %add3A_563, %lt3A_566 : vector<16xi32>
    %jit3A_568 = arith.constant 0 : i32
    %broadcast_in_dim3A_569 = vector.broadcast %jit3A_568 : i32 to vector<16xi32>
    %select_n3A_570 = arith.select %lt3A_567, %get3A_565, %broadcast_in_dim3A_569 : vector<16xi1>, vector<16xi32>
    %swap3A_571 = arith.constant 624 : index
    %swap3A_572 = tpu.vector_load %arg7[%swap3A_571] {strides = array<i32>} : memref<1024xi32, #tpu.memory_space<vmem>>, vector<16xi32>,
    tpu.vector_store %arg7[%swap3A_571], %select_n3A_570 {strides = array<i32>} : memref<1024xi32, #tpu.memory_space<vmem>>, vector<16xi32>,
    %add3A_573 = arith.constant 640 : i32
    %add3A_574 = arith.addi %select_n3A_29, %add3A_573 : i32
    %add3A_575 = vector.broadcast %add3A_574 : i32 to vector<16xi32>
    %add3A_576 = arith.addi %iota3A, %add3A_575 : vector<16xi32>
    %get3A_577 = arith.constant 640 : index
    %get3A_578 = tpu.vector_load %arg7[%get3A_577] {strides = array<i32>} : memref<1024xi32, #tpu.memory_space<vmem>>, vector<16xi32>,
    %lt3A_579 = vector.broadcast %reduce_sum3A_53 : i32 to vector<16xi32>
    %lt3A_580 = arith.cmpi slt, %add3A_576, %lt3A_579 : vector<16xi32>
    %jit3A_581 = arith.constant 0 : i32
    %broadcast_in_dim3A_582 = vector.broadcast %jit3A_581 : i32 to vector<16xi32>
    %select_n3A_583 = arith.select %lt3A_580, %get3A_578, %broadcast_in_dim3A_582 : vector<16xi1>, vector<16xi32>
    %swap3A_584 = arith.constant 640 : index
    %swap3A_585 = tpu.vector_load %arg7[%swap3A_584] {strides = array<i32>} : memref<1024xi32, #tpu.memory_space<vmem>>, vector<16xi32>,
    tpu.vector_store %arg7[%swap3A_584], %select_n3A_583 {strides = array<i32>} : memref<1024xi32, #tpu.memory_space<vmem>>, vector<16xi32>,
    %add3A_586 = arith.constant 656 : i32
    %add3A_587 = arith.addi %select_n3A_29, %add3A_586 : i32
    %add3A_588 = vector.broadcast %add3A_587 : i32 to vector<16xi32>
    %add3A_589 = arith.addi %iota3A, %add3A_588 : vector<16xi32>
    %get3A_590 = arith.constant 656 : index
    %get3A_591 = tpu.vector_load %arg7[%get3A_590] {strides = array<i32>} : memref<1024xi32, #tpu.memory_space<vmem>>, vector<16xi32>,
    %lt3A_592 = vector.broadcast %reduce_sum3A_53 : i32 to vector<16xi32>
    %lt3A_593 = arith.cmpi slt, %add3A_589, %lt3A_592 : vector<16xi32>
    %jit3A_594 = arith.constant 0 : i32
    %broadcast_in_dim3A_595 = vector.broadcast %jit3A_594 : i32 to vector<16xi32>
    %select_n3A_596 = arith.select %lt3A_593, %get3A_591, %broadcast_in_dim3A_595 : vector<16xi1>, vector<16xi32>
    %swap3A_597 = arith.constant 656 : index
    %swap3A_598 = tpu.vector_load %arg7[%swap3A_597] {strides = array<i32>} : memref<1024xi32, #tpu.memory_space<vmem>>, vector<16xi32>,
    tpu.vector_store %arg7[%swap3A_597], %select_n3A_596 {strides = array<i32>} : memref<1024xi32, #tpu.memory_space<vmem>>, vector<16xi32>,
    %add3A_599 = arith.constant 672 : i32
    %add3A_600 = arith.addi %select_n3A_29, %add3A_599 : i32
    %add3A_601 = vector.broadcast %add3A_600 : i32 to vector<16xi32>
    %add3A_602 = arith.addi %iota3A, %add3A_601 : vector<16xi32>
    %get3A_603 = arith.constant 672 : index
    %get3A_604 = tpu.vector_load %arg7[%get3A_603] {strides = array<i32>} : memref<1024xi32, #tpu.memory_space<vmem>>, vector<16xi32>,
    %lt3A_605 = vector.broadcast %reduce_sum3A_53 : i32 to vector<16xi32>
    %lt3A_606 = arith.cmpi slt, %add3A_602, %lt3A_605 : vector<16xi32>
    %jit3A_607 = arith.constant 0 : i32
    %broadcast_in_dim3A_608 = vector.broadcast %jit3A_607 : i32 to vector<16xi32>
    %select_n3A_609 = arith.select %lt3A_606, %get3A_604, %broadcast_in_dim3A_608 : vector<16xi1>, vector<16xi32>
    %swap3A_610 = arith.constant 672 : index
    %swap3A_611 = tpu.vector_load %arg7[%swap3A_610] {strides = array<i32>} : memref<1024xi32, #tpu.memory_space<vmem>>, vector<16xi32>,
    tpu.vector_store %arg7[%swap3A_610], %select_n3A_609 {strides = array<i32>} : memref<1024xi32, #tpu.memory_space<vmem>>, vector<16xi32>,
    %add3A_612 = arith.constant 688 : i32
    %add3A_613 = arith.addi %select_n3A_29, %add3A_612 : i32
    %add3A_614 = vector.broadcast %add3A_613 : i32 to vector<16xi32>
    %add3A_615 = arith.addi %iota3A, %add3A_614 : vector<16xi32>
    %get3A_616 = arith.constant 688 : index
    %get3A_617 = tpu.vector_load %arg7[%get3A_616] {strides = array<i32>} : memref<1024xi32, #tpu.memory_space<vmem>>, vector<16xi32>,
    %lt3A_618 = vector.broadcast %reduce_sum3A_53 : i32 to vector<16xi32>
    %lt3A_619 = arith.cmpi slt, %add3A_615, %lt3A_618 : vector<16xi32>
    %jit3A_620 = arith.constant 0 : i32
    %broadcast_in_dim3A_621 = vector.broadcast %jit3A_620 : i32 to vector<16xi32>
    %select_n3A_622 = arith.select %lt3A_619, %get3A_617, %broadcast_in_dim3A_621 : vector<16xi1>, vector<16xi32>
    %swap3A_623 = arith.constant 688 : index
    %swap3A_624 = tpu.vector_load %arg7[%swap3A_623] {strides = array<i32>} : memref<1024xi32, #tpu.memory_space<vmem>>, vector<16xi32>,
    tpu.vector_store %arg7[%swap3A_623], %select_n3A_622 {strides = array<i32>} : memref<1024xi32, #tpu.memory_space<vmem>>, vector<16xi32>,
    %add3A_625 = arith.constant 704 : i32
    %add3A_626 = arith.addi %select_n3A_29, %add3A_625 : i32
    %add3A_627 = vector.broadcast %add3A_626 : i32 to vector<16xi32>
    %add3A_628 = arith.addi %iota3A, %add3A_627 : vector<16xi32>
    %get3A_629 = arith.constant 704 : index
    %get3A_630 = tpu.vector_load %arg7[%get3A_629] {strides = array<i32>} : memref<1024xi32, #tpu.memory_space<vmem>>, vector<16xi32>,
    %lt3A_631 = vector.broadcast %reduce_sum3A_53 : i32 to vector<16xi32>
    %lt3A_632 = arith.cmpi slt, %add3A_628, %lt3A_631 : vector<16xi32>
    %jit3A_633 = arith.constant 0 : i32
    %broadcast_in_dim3A_634 = vector.broadcast %jit3A_633 : i32 to vector<16xi32>
    %select_n3A_635 = arith.select %lt3A_632, %get3A_630, %broadcast_in_dim3A_634 : vector<16xi1>, vector<16xi32>
    %swap3A_636 = arith.constant 704 : index
    %swap3A_637 = tpu.vector_load %arg7[%swap3A_636] {strides = array<i32>} : memref<1024xi32, #tpu.memory_space<vmem>>, vector<16xi32>,
    tpu.vector_store %arg7[%swap3A_636], %select_n3A_635 {strides = array<i32>} : memref<1024xi32, #tpu.memory_space<vmem>>, vector<16xi32>,
    %add3A_638 = arith.constant 720 : i32
    %add3A_639 = arith.addi %select_n3A_29, %add3A_638 : i32
    %add3A_640 = vector.broadcast %add3A_639 : i32 to vector<16xi32>
    %add3A_641 = arith.addi %iota3A, %add3A_640 : vector<16xi32>
    %get3A_642 = arith.constant 720 : index
    %get3A_643 = tpu.vector_load %arg7[%get3A_642] {strides = array<i32>} : memref<1024xi32, #tpu.memory_space<vmem>>, vector<16xi32>,
    %lt3A_644 = vector.broadcast %reduce_sum3A_53 : i32 to vector<16xi32>
    %lt3A_645 = arith.cmpi slt, %add3A_641, %lt3A_644 : vector<16xi32>
    %jit3A_646 = arith.constant 0 : i32
    %broadcast_in_dim3A_647 = vector.broadcast %jit3A_646 : i32 to vector<16xi32>
    %select_n3A_648 = arith.select %lt3A_645, %get3A_643, %broadcast_in_dim3A_647 : vector<16xi1>, vector<16xi32>
    %swap3A_649 = arith.constant 720 : index
    %swap3A_650 = tpu.vector_load %arg7[%swap3A_649] {strides = array<i32>} : memref<1024xi32, #tpu.memory_space<vmem>>, vector<16xi32>,
    tpu.vector_store %arg7[%swap3A_649], %select_n3A_648 {strides = array<i32>} : memref<1024xi32, #tpu.memory_space<vmem>>, vector<16xi32>,
    %add3A_651 = arith.constant 736 : i32
    %add3A_652 = arith.addi %select_n3A_29, %add3A_651 : i32
    %add3A_653 = vector.broadcast %add3A_652 : i32 to vector<16xi32>
    %add3A_654 = arith.addi %iota3A, %add3A_653 : vector<16xi32>
    %get3A_655 = arith.constant 736 : index
    %get3A_656 = tpu.vector_load %arg7[%get3A_655] {strides = array<i32>} : memref<1024xi32, #tpu.memory_space<vmem>>, vector<16xi32>,
    %lt3A_657 = vector.broadcast %reduce_sum3A_53 : i32 to vector<16xi32>
    %lt3A_658 = arith.cmpi slt, %add3A_654, %lt3A_657 : vector<16xi32>
    %jit3A_659 = arith.constant 0 : i32
    %broadcast_in_dim3A_660 = vector.broadcast %jit3A_659 : i32 to vector<16xi32>
    %select_n3A_661 = arith.select %lt3A_658, %get3A_656, %broadcast_in_dim3A_660 : vector<16xi1>, vector<16xi32>
    %swap3A_662 = arith.constant 736 : index
    %swap3A_663 = tpu.vector_load %arg7[%swap3A_662] {strides = array<i32>} : memref<1024xi32, #tpu.memory_space<vmem>>, vector<16xi32>,
    tpu.vector_store %arg7[%swap3A_662], %select_n3A_661 {strides = array<i32>} : memref<1024xi32, #tpu.memory_space<vmem>>, vector<16xi32>,
    %add3A_664 = arith.constant 752 : i32
    %add3A_665 = arith.addi %select_n3A_29, %add3A_664 : i32
    %add3A_666 = vector.broadcast %add3A_665 : i32 to vector<16xi32>
    %add3A_667 = arith.addi %iota3A, %add3A_666 : vector<16xi32>
    %get3A_668 = arith.constant 752 : index
    %get3A_669 = tpu.vector_load %arg7[%get3A_668] {strides = array<i32>} : memref<1024xi32, #tpu.memory_space<vmem>>, vector<16xi32>,
    %lt3A_670 = vector.broadcast %reduce_sum3A_53 : i32 to vector<16xi32>
    %lt3A_671 = arith.cmpi slt, %add3A_667, %lt3A_670 : vector<16xi32>
    %jit3A_672 = arith.constant 0 : i32
    %broadcast_in_dim3A_673 = vector.broadcast %jit3A_672 : i32 to vector<16xi32>
    %select_n3A_674 = arith.select %lt3A_671, %get3A_669, %broadcast_in_dim3A_673 : vector<16xi1>, vector<16xi32>
    %swap3A_675 = arith.constant 752 : index
    %swap3A_676 = tpu.vector_load %arg7[%swap3A_675] {strides = array<i32>} : memref<1024xi32, #tpu.memory_space<vmem>>, vector<16xi32>,
    tpu.vector_store %arg7[%swap3A_675], %select_n3A_674 {strides = array<i32>} : memref<1024xi32, #tpu.memory_space<vmem>>, vector<16xi32>,
    %add3A_677 = arith.constant 768 : i32
    %add3A_678 = arith.addi %select_n3A_29, %add3A_677 : i32
    %add3A_679 = vector.broadcast %add3A_678 : i32 to vector<16xi32>
    %add3A_680 = arith.addi %iota3A, %add3A_679 : vector<16xi32>
    %get3A_681 = arith.constant 768 : index
    %get3A_682 = tpu.vector_load %arg7[%get3A_681] {strides = array<i32>} : memref<1024xi32, #tpu.memory_space<vmem>>, vector<16xi32>,
    %lt3A_683 = vector.broadcast %reduce_sum3A_53 : i32 to vector<16xi32>
    %lt3A_684 = arith.cmpi slt, %add3A_680, %lt3A_683 : vector<16xi32>
    %jit3A_685 = arith.constant 0 : i32
    %broadcast_in_dim3A_686 = vector.broadcast %jit3A_685 : i32 to vector<16xi32>
    %select_n3A_687 = arith.select %lt3A_684, %get3A_682, %broadcast_in_dim3A_686 : vector<16xi1>, vector<16xi32>
    %swap3A_688 = arith.constant 768 : index
    %swap3A_689 = tpu.vector_load %arg7[%swap3A_688] {strides = array<i32>} : memref<1024xi32, #tpu.memory_space<vmem>>, vector<16xi32>,
    tpu.vector_store %arg7[%swap3A_688], %select_n3A_687 {strides = array<i32>} : memref<1024xi32, #tpu.memory_space<vmem>>, vector<16xi32>,
    %add3A_690 = arith.constant 784 : i32
    %add3A_691 = arith.addi %select_n3A_29, %add3A_690 : i32
    %add3A_692 = vector.broadcast %add3A_691 : i32 to vector<16xi32>
    %add3A_693 = arith.addi %iota3A, %add3A_692 : vector<16xi32>
    %get3A_694 = arith.constant 784 : index
    %get3A_695 = tpu.vector_load %arg7[%get3A_694] {strides = array<i32>} : memref<1024xi32, #tpu.memory_space<vmem>>, vector<16xi32>,
    %lt3A_696 = vector.broadcast %reduce_sum3A_53 : i32 to vector<16xi32>
    %lt3A_697 = arith.cmpi slt, %add3A_693, %lt3A_696 : vector<16xi32>
    %jit3A_698 = arith.constant 0 : i32
    %broadcast_in_dim3A_699 = vector.broadcast %jit3A_698 : i32 to vector<16xi32>
    %select_n3A_700 = arith.select %lt3A_697, %get3A_695, %broadcast_in_dim3A_699 : vector<16xi1>, vector<16xi32>
    %swap3A_701 = arith.constant 784 : index
    %swap3A_702 = tpu.vector_load %arg7[%swap3A_701] {strides = array<i32>} : memref<1024xi32, #tpu.memory_space<vmem>>, vector<16xi32>,
    tpu.vector_store %arg7[%swap3A_701], %select_n3A_700 {strides = array<i32>} : memref<1024xi32, #tpu.memory_space<vmem>>, vector<16xi32>,
    %add3A_703 = arith.constant 800 : i32
    %add3A_704 = arith.addi %select_n3A_29, %add3A_703 : i32
    %add3A_705 = vector.broadcast %add3A_704 : i32 to vector<16xi32>
    %add3A_706 = arith.addi %iota3A, %add3A_705 : vector<16xi32>
    %get3A_707 = arith.constant 800 : index
    %get3A_708 = tpu.vector_load %arg7[%get3A_707] {strides = array<i32>} : memref<1024xi32, #tpu.memory_space<vmem>>, vector<16xi32>,
    %lt3A_709 = vector.broadcast %reduce_sum3A_53 : i32 to vector<16xi32>
    %lt3A_710 = arith.cmpi slt, %add3A_706, %lt3A_709 : vector<16xi32>
    %jit3A_711 = arith.constant 0 : i32
    %broadcast_in_dim3A_712 = vector.broadcast %jit3A_711 : i32 to vector<16xi32>
    %select_n3A_713 = arith.select %lt3A_710, %get3A_708, %broadcast_in_dim3A_712 : vector<16xi1>, vector<16xi32>
    %swap3A_714 = arith.constant 800 : index
    %swap3A_715 = tpu.vector_load %arg7[%swap3A_714] {strides = array<i32>} : memref<1024xi32, #tpu.memory_space<vmem>>, vector<16xi32>,
    tpu.vector_store %arg7[%swap3A_714], %select_n3A_713 {strides = array<i32>} : memref<1024xi32, #tpu.memory_space<vmem>>, vector<16xi32>,
    %add3A_716 = arith.constant 816 : i32
    %add3A_717 = arith.addi %select_n3A_29, %add3A_716 : i32
    %add3A_718 = vector.broadcast %add3A_717 : i32 to vector<16xi32>
    %add3A_719 = arith.addi %iota3A, %add3A_718 : vector<16xi32>
    %get3A_720 = arith.constant 816 : index
    %get3A_721 = tpu.vector_load %arg7[%get3A_720] {strides = array<i32>} : memref<1024xi32, #tpu.memory_space<vmem>>, vector<16xi32>,
    %lt3A_722 = vector.broadcast %reduce_sum3A_53 : i32 to vector<16xi32>
    %lt3A_723 = arith.cmpi slt, %add3A_719, %lt3A_722 : vector<16xi32>
    %jit3A_724 = arith.constant 0 : i32
    %broadcast_in_dim3A_725 = vector.broadcast %jit3A_724 : i32 to vector<16xi32>
    %select_n3A_726 = arith.select %lt3A_723, %get3A_721, %broadcast_in_dim3A_725 : vector<16xi1>, vector<16xi32>
    %swap3A_727 = arith.constant 816 : index
    %swap3A_728 = tpu.vector_load %arg7[%swap3A_727] {strides = array<i32>} : memref<1024xi32, #tpu.memory_space<vmem>>, vector<16xi32>,
    tpu.vector_store %arg7[%swap3A_727], %select_n3A_726 {strides = array<i32>} : memref<1024xi32, #tpu.memory_space<vmem>>, vector<16xi32>,
    %add3A_729 = arith.constant 832 : i32
    %add3A_730 = arith.addi %select_n3A_29, %add3A_729 : i32
    %add3A_731 = vector.broadcast %add3A_730 : i32 to vector<16xi32>
    %add3A_732 = arith.addi %iota3A, %add3A_731 : vector<16xi32>
    %get3A_733 = arith.constant 832 : index
    %get3A_734 = tpu.vector_load %arg7[%get3A_733] {strides = array<i32>} : memref<1024xi32, #tpu.memory_space<vmem>>, vector<16xi32>,
    %lt3A_735 = vector.broadcast %reduce_sum3A_53 : i32 to vector<16xi32>
    %lt3A_736 = arith.cmpi slt, %add3A_732, %lt3A_735 : vector<16xi32>
    %jit3A_737 = arith.constant 0 : i32
    %broadcast_in_dim3A_738 = vector.broadcast %jit3A_737 : i32 to vector<16xi32>
    %select_n3A_739 = arith.select %lt3A_736, %get3A_734, %broadcast_in_dim3A_738 : vector<16xi1>, vector<16xi32>
    %swap3A_740 = arith.constant 832 : index
    %swap3A_741 = tpu.vector_load %arg7[%swap3A_740] {strides = array<i32>} : memref<1024xi32, #tpu.memory_space<vmem>>, vector<16xi32>,
    tpu.vector_store %arg7[%swap3A_740], %select_n3A_739 {strides = array<i32>} : memref<1024xi32, #tpu.memory_space<vmem>>, vector<16xi32>,
    %add3A_742 = arith.constant 848 : i32
    %add3A_743 = arith.addi %select_n3A_29, %add3A_742 : i32
    %add3A_744 = vector.broadcast %add3A_743 : i32 to vector<16xi32>
    %add3A_745 = arith.addi %iota3A, %add3A_744 : vector<16xi32>
    %get3A_746 = arith.constant 848 : index
    %get3A_747 = tpu.vector_load %arg7[%get3A_746] {strides = array<i32>} : memref<1024xi32, #tpu.memory_space<vmem>>, vector<16xi32>,
    %lt3A_748 = vector.broadcast %reduce_sum3A_53 : i32 to vector<16xi32>
    %lt3A_749 = arith.cmpi slt, %add3A_745, %lt3A_748 : vector<16xi32>
    %jit3A_750 = arith.constant 0 : i32
    %broadcast_in_dim3A_751 = vector.broadcast %jit3A_750 : i32 to vector<16xi32>
    %select_n3A_752 = arith.select %lt3A_749, %get3A_747, %broadcast_in_dim3A_751 : vector<16xi1>, vector<16xi32>
    %swap3A_753 = arith.constant 848 : index
    %swap3A_754 = tpu.vector_load %arg7[%swap3A_753] {strides = array<i32>} : memref<1024xi32, #tpu.memory_space<vmem>>, vector<16xi32>,
    tpu.vector_store %arg7[%swap3A_753], %select_n3A_752 {strides = array<i32>} : memref<1024xi32, #tpu.memory_space<vmem>>, vector<16xi32>,
    %add3A_755 = arith.constant 864 : i32
    %add3A_756 = arith.addi %select_n3A_29, %add3A_755 : i32
    %add3A_757 = vector.broadcast %add3A_756 : i32 to vector<16xi32>
    %add3A_758 = arith.addi %iota3A, %add3A_757 : vector<16xi32>
    %get3A_759 = arith.constant 864 : index
    %get3A_760 = tpu.vector_load %arg7[%get3A_759] {strides = array<i32>} : memref<1024xi32, #tpu.memory_space<vmem>>, vector<16xi32>,
    %lt3A_761 = vector.broadcast %reduce_sum3A_53 : i32 to vector<16xi32>
    %lt3A_762 = arith.cmpi slt, %add3A_758, %lt3A_761 : vector<16xi32>
    %jit3A_763 = arith.constant 0 : i32
    %broadcast_in_dim3A_764 = vector.broadcast %jit3A_763 : i32 to vector<16xi32>
    %select_n3A_765 = arith.select %lt3A_762, %get3A_760, %broadcast_in_dim3A_764 : vector<16xi1>, vector<16xi32>
    %swap3A_766 = arith.constant 864 : index
    %swap3A_767 = tpu.vector_load %arg7[%swap3A_766] {strides = array<i32>} : memref<1024xi32, #tpu.memory_space<vmem>>, vector<16xi32>,
    tpu.vector_store %arg7[%swap3A_766], %select_n3A_765 {strides = array<i32>} : memref<1024xi32, #tpu.memory_space<vmem>>, vector<16xi32>,
    %add3A_768 = arith.constant 880 : i32
    %add3A_769 = arith.addi %select_n3A_29, %add3A_768 : i32
    %add3A_770 = vector.broadcast %add3A_769 : i32 to vector<16xi32>
    %add3A_771 = arith.addi %iota3A, %add3A_770 : vector<16xi32>
    %get3A_772 = arith.constant 880 : index
    %get3A_773 = tpu.vector_load %arg7[%get3A_772] {strides = array<i32>} : memref<1024xi32, #tpu.memory_space<vmem>>, vector<16xi32>,
    %lt3A_774 = vector.broadcast %reduce_sum3A_53 : i32 to vector<16xi32>
    %lt3A_775 = arith.cmpi slt, %add3A_771, %lt3A_774 : vector<16xi32>
    %jit3A_776 = arith.constant 0 : i32
    %broadcast_in_dim3A_777 = vector.broadcast %jit3A_776 : i32 to vector<16xi32>
    %select_n3A_778 = arith.select %lt3A_775, %get3A_773, %broadcast_in_dim3A_777 : vector<16xi1>, vector<16xi32>
    %swap3A_779 = arith.constant 880 : index
    %swap3A_780 = tpu.vector_load %arg7[%swap3A_779] {strides = array<i32>} : memref<1024xi32, #tpu.memory_space<vmem>>, vector<16xi32>,
    tpu.vector_store %arg7[%swap3A_779], %select_n3A_778 {strides = array<i32>} : memref<1024xi32, #tpu.memory_space<vmem>>, vector<16xi32>,
    %add3A_781 = arith.constant 896 : i32
    %add3A_782 = arith.addi %select_n3A_29, %add3A_781 : i32
    %add3A_783 = vector.broadcast %add3A_782 : i32 to vector<16xi32>
    %add3A_784 = arith.addi %iota3A, %add3A_783 : vector<16xi32>
    %get3A_785 = arith.constant 896 : index
    %get3A_786 = tpu.vector_load %arg7[%get3A_785] {strides = array<i32>} : memref<1024xi32, #tpu.memory_space<vmem>>, vector<16xi32>,
    %lt3A_787 = vector.broadcast %reduce_sum3A_53 : i32 to vector<16xi32>
    %lt3A_788 = arith.cmpi slt, %add3A_784, %lt3A_787 : vector<16xi32>
    %jit3A_789 = arith.constant 0 : i32
    %broadcast_in_dim3A_790 = vector.broadcast %jit3A_789 : i32 to vector<16xi32>
    %select_n3A_791 = arith.select %lt3A_788, %get3A_786, %broadcast_in_dim3A_790 : vector<16xi1>, vector<16xi32>
    %swap3A_792 = arith.constant 896 : index
    %swap3A_793 = tpu.vector_load %arg7[%swap3A_792] {strides = array<i32>} : memref<1024xi32, #tpu.memory_space<vmem>>, vector<16xi32>,
    tpu.vector_store %arg7[%swap3A_792], %select_n3A_791 {strides = array<i32>} : memref<1024xi32, #tpu.memory_space<vmem>>, vector<16xi32>,
    %add3A_794 = arith.constant 912 : i32
    %add3A_795 = arith.addi %select_n3A_29, %add3A_794 : i32
    %add3A_796 = vector.broadcast %add3A_795 : i32 to vector<16xi32>
    %add3A_797 = arith.addi %iota3A, %add3A_796 : vector<16xi32>
    %get3A_798 = arith.constant 912 : index
    %get3A_799 = tpu.vector_load %arg7[%get3A_798] {strides = array<i32>} : memref<1024xi32, #tpu.memory_space<vmem>>, vector<16xi32>,
    %lt3A_800 = vector.broadcast %reduce_sum3A_53 : i32 to vector<16xi32>
    %lt3A_801 = arith.cmpi slt, %add3A_797, %lt3A_800 : vector<16xi32>
    %jit3A_802 = arith.constant 0 : i32
    %broadcast_in_dim3A_803 = vector.broadcast %jit3A_802 : i32 to vector<16xi32>
    %select_n3A_804 = arith.select %lt3A_801, %get3A_799, %broadcast_in_dim3A_803 : vector<16xi1>, vector<16xi32>
    %swap3A_805 = arith.constant 912 : index
    %swap3A_806 = tpu.vector_load %arg7[%swap3A_805] {strides = array<i32>} : memref<1024xi32, #tpu.memory_space<vmem>>, vector<16xi32>,
    tpu.vector_store %arg7[%swap3A_805], %select_n3A_804 {strides = array<i32>} : memref<1024xi32, #tpu.memory_space<vmem>>, vector<16xi32>,
    %add3A_807 = arith.constant 928 : i32
    %add3A_808 = arith.addi %select_n3A_29, %add3A_807 : i32
    %add3A_809 = vector.broadcast %add3A_808 : i32 to vector<16xi32>
    %add3A_810 = arith.addi %iota3A, %add3A_809 : vector<16xi32>
    %get3A_811 = arith.constant 928 : index
    %get3A_812 = tpu.vector_load %arg7[%get3A_811] {strides = array<i32>} : memref<1024xi32, #tpu.memory_space<vmem>>, vector<16xi32>,
    %lt3A_813 = vector.broadcast %reduce_sum3A_53 : i32 to vector<16xi32>
    %lt3A_814 = arith.cmpi slt, %add3A_810, %lt3A_813 : vector<16xi32>
    %jit3A_815 = arith.constant 0 : i32
    %broadcast_in_dim3A_816 = vector.broadcast %jit3A_815 : i32 to vector<16xi32>
    %select_n3A_817 = arith.select %lt3A_814, %get3A_812, %broadcast_in_dim3A_816 : vector<16xi1>, vector<16xi32>
    %swap3A_818 = arith.constant 928 : index
    %swap3A_819 = tpu.vector_load %arg7[%swap3A_818] {strides = array<i32>} : memref<1024xi32, #tpu.memory_space<vmem>>, vector<16xi32>,
    tpu.vector_store %arg7[%swap3A_818], %select_n3A_817 {strides = array<i32>} : memref<1024xi32, #tpu.memory_space<vmem>>, vector<16xi32>,
    %add3A_820 = arith.constant 944 : i32
    %add3A_821 = arith.addi %select_n3A_29, %add3A_820 : i32
    %add3A_822 = vector.broadcast %add3A_821 : i32 to vector<16xi32>
    %add3A_823 = arith.addi %iota3A, %add3A_822 : vector<16xi32>
    %get3A_824 = arith.constant 944 : index
    %get3A_825 = tpu.vector_load %arg7[%get3A_824] {strides = array<i32>} : memref<1024xi32, #tpu.memory_space<vmem>>, vector<16xi32>,
    %lt3A_826 = vector.broadcast %reduce_sum3A_53 : i32 to vector<16xi32>
    %lt3A_827 = arith.cmpi slt, %add3A_823, %lt3A_826 : vector<16xi32>
    %jit3A_828 = arith.constant 0 : i32
    %broadcast_in_dim3A_829 = vector.broadcast %jit3A_828 : i32 to vector<16xi32>
    %select_n3A_830 = arith.select %lt3A_827, %get3A_825, %broadcast_in_dim3A_829 : vector<16xi1>, vector<16xi32>
    %swap3A_831 = arith.constant 944 : index
    %swap3A_832 = tpu.vector_load %arg7[%swap3A_831] {strides = array<i32>} : memref<1024xi32, #tpu.memory_space<vmem>>, vector<16xi32>,
    tpu.vector_store %arg7[%swap3A_831], %select_n3A_830 {strides = array<i32>} : memref<1024xi32, #tpu.memory_space<vmem>>, vector<16xi32>,
    %add3A_833 = arith.constant 960 : i32
    %add3A_834 = arith.addi %select_n3A_29, %add3A_833 : i32
    %add3A_835 = vector.broadcast %add3A_834 : i32 to vector<16xi32>
    %add3A_836 = arith.addi %iota3A, %add3A_835 : vector<16xi32>
    %get3A_837 = arith.constant 960 : index
    %get3A_838 = tpu.vector_load %arg7[%get3A_837] {strides = array<i32>} : memref<1024xi32, #tpu.memory_space<vmem>>, vector<16xi32>,
    %lt3A_839 = vector.broadcast %reduce_sum3A_53 : i32 to vector<16xi32>
    %lt3A_840 = arith.cmpi slt, %add3A_836, %lt3A_839 : vector<16xi32>
    %jit3A_841 = arith.constant 0 : i32
    %broadcast_in_dim3A_842 = vector.broadcast %jit3A_841 : i32 to vector<16xi32>
    %select_n3A_843 = arith.select %lt3A_840, %get3A_838, %broadcast_in_dim3A_842 : vector<16xi1>, vector<16xi32>
    %swap3A_844 = arith.constant 960 : index
    %swap3A_845 = tpu.vector_load %arg7[%swap3A_844] {strides = array<i32>} : memref<1024xi32, #tpu.memory_space<vmem>>, vector<16xi32>,
    tpu.vector_store %arg7[%swap3A_844], %select_n3A_843 {strides = array<i32>} : memref<1024xi32, #tpu.memory_space<vmem>>, vector<16xi32>,
    %add3A_846 = arith.constant 976 : i32
    %add3A_847 = arith.addi %select_n3A_29, %add3A_846 : i32
    %add3A_848 = vector.broadcast %add3A_847 : i32 to vector<16xi32>
    %add3A_849 = arith.addi %iota3A, %add3A_848 : vector<16xi32>
    %get3A_850 = arith.constant 976 : index
    %get3A_851 = tpu.vector_load %arg7[%get3A_850] {strides = array<i32>} : memref<1024xi32, #tpu.memory_space<vmem>>, vector<16xi32>,
    %lt3A_852 = vector.broadcast %reduce_sum3A_53 : i32 to vector<16xi32>
    %lt3A_853 = arith.cmpi slt, %add3A_849, %lt3A_852 : vector<16xi32>
    %jit3A_854 = arith.constant 0 : i32
    %broadcast_in_dim3A_855 = vector.broadcast %jit3A_854 : i32 to vector<16xi32>
    %select_n3A_856 = arith.select %lt3A_853, %get3A_851, %broadcast_in_dim3A_855 : vector<16xi1>, vector<16xi32>
    %swap3A_857 = arith.constant 976 : index
    %swap3A_858 = tpu.vector_load %arg7[%swap3A_857] {strides = array<i32>} : memref<1024xi32, #tpu.memory_space<vmem>>, vector<16xi32>,
    tpu.vector_store %arg7[%swap3A_857], %select_n3A_856 {strides = array<i32>} : memref<1024xi32, #tpu.memory_space<vmem>>, vector<16xi32>,
    %add3A_859 = arith.constant 992 : i32
    %add3A_860 = arith.addi %select_n3A_29, %add3A_859 : i32
    %add3A_861 = vector.broadcast %add3A_860 : i32 to vector<16xi32>
    %add3A_862 = arith.addi %iota3A, %add3A_861 : vector<16xi32>
    %get3A_863 = arith.constant 992 : index
    %get3A_864 = tpu.vector_load %arg7[%get3A_863] {strides = array<i32>} : memref<1024xi32, #tpu.memory_space<vmem>>, vector<16xi32>,
    %lt3A_865 = vector.broadcast %reduce_sum3A_53 : i32 to vector<16xi32>
    %lt3A_866 = arith.cmpi slt, %add3A_862, %lt3A_865 : vector<16xi32>
    %jit3A_867 = arith.constant 0 : i32
    %broadcast_in_dim3A_868 = vector.broadcast %jit3A_867 : i32 to vector<16xi32>
    %select_n3A_869 = arith.select %lt3A_866, %get3A_864, %broadcast_in_dim3A_868 : vector<16xi1>, vector<16xi32>
    %swap3A_870 = arith.constant 992 : index
    %swap3A_871 = tpu.vector_load %arg7[%swap3A_870] {strides = array<i32>} : memref<1024xi32, #tpu.memory_space<vmem>>, vector<16xi32>,
    tpu.vector_store %arg7[%swap3A_870], %select_n3A_869 {strides = array<i32>} : memref<1024xi32, #tpu.memory_space<vmem>>, vector<16xi32>,
    %add3A_872 = arith.constant 1008 : i32
    %add3A_873 = arith.addi %select_n3A_29, %add3A_872 : i32
    %add3A_874 = vector.broadcast %add3A_873 : i32 to vector<16xi32>
    %add3A_875 = arith.addi %iota3A, %add3A_874 : vector<16xi32>
    %get3A_876 = arith.constant 1008 : index
    %get3A_877 = tpu.vector_load %arg7[%get3A_876] {strides = array<i32>} : memref<1024xi32, #tpu.memory_space<vmem>>, vector<16xi32>,
    %lt3A_878 = vector.broadcast %reduce_sum3A_53 : i32 to vector<16xi32>
    %lt3A_879 = arith.cmpi slt, %add3A_875, %lt3A_878 : vector<16xi32>
    %jit3A_880 = arith.constant 0 : i32
    %broadcast_in_dim3A_881 = vector.broadcast %jit3A_880 : i32 to vector<16xi32>
    %select_n3A_882 = arith.select %lt3A_879, %get3A_877, %broadcast_in_dim3A_881 : vector<16xi1>, vector<16xi32>
    %swap3A_883 = arith.constant 1008 : index
    %swap3A_884 = tpu.vector_load %arg7[%swap3A_883] {strides = array<i32>} : memref<1024xi32, #tpu.memory_space<vmem>>, vector<16xi32>,
    tpu.vector_store %arg7[%swap3A_883], %select_n3A_882 {strides = array<i32>} : memref<1024xi32, #tpu.memory_space<vmem>>, vector<16xi32>,
    "tpu.region"() ({
      %run_scoped3A = tpu.sem_alloc : memref<!tpu.dma_semaphore, #tpu.memory_space<semaphore_mem>>
      %dma_start3A_888 = tpu.memref_slice %arg4[%mul3A_0] : memref<16384xi32, #tpu.memory_space<hbm>> -> memref<1024xi32, #tpu.memory_space<hbm>>
      %dma_start3A_889 = tpu.memref_slice %arg4[%mul3A_0] : memref<16384xi32, #tpu.memory_space<hbm>> -> memref<1024xi32, #tpu.memory_space<hbm>>
      tpu.enqueue_dma source(%arg7 : memref<1024xi32, #tpu.memory_space<vmem>>) target(%dma_start3A_889 : memref<1024xi32, #tpu.memory_space<hbm>>) target_semaphore(%run_scoped3A : memref<!tpu.dma_semaphore, #tpu.memory_space<semaphore_mem>>)
      %dma_wait3A_890 = tpu.memref_slice %arg4[%mul3A_0] : memref<16384xi32, #tpu.memory_space<hbm>> -> memref<1024xi32, #tpu.memory_space<hbm>>
      %dma_wait3A_891 = tpu.memref_slice %arg4[%mul3A_0] : memref<16384xi32, #tpu.memory_space<hbm>> -> memref<1024xi32, #tpu.memory_space<hbm>>
      tpu.wait_dma2 semaphore(%run_scoped3A : memref<!tpu.dma_semaphore, #tpu.memory_space<semaphore_mem>>) src(%arg7 : memref<1024xi32, #tpu.memory_space<vmem>>) dst(%dma_wait3A_891 : memref<1024xi32, #tpu.memory_space<hbm>>)
      tpu.yield
    }) : () -> ()
    %eq3A_885 = arith.constant 0 : i32
    %eq3A_886 = arith.cmpi eq, %arg1, %eq3A_885 : i32
    %convert_element_type3A = arith.extui %eq3A_886 : i1 to i32
    %cond3A = arith.constant 0 : i32
    %cond3A_887 = arith.cmpi ne, %convert_element_type3A, %cond3A : i32
    scf.if %cond3A_887 {
      %broadcast_in_dim3A_888 = arith.constant true
      %broadcast_in_dim3A_889 = vector.broadcast %broadcast_in_dim3A_888 : i1 to vector<16xi1>
      %masked_cumsum3A = tpu.scan <sum>, %select_n3A_45 masked %broadcast_in_dim3A_889 : vector<16xi32>, vector<16xi1> -> vector<16xi32>
      %sub3A_890 = arith.subi %masked_cumsum3A, %select_n3A_45 : vector<16xi32>
      %lt3A_891 = arith.constant 8 : i32
      %lt3A_892 = vector.broadcast %lt3A_891 : i32 to vector<16xi32>
      %lt3A_893 = arith.cmpi slt, %iota3A, %lt3A_892 : vector<16xi32>
      %reduce_sum3A_894 = arith.constant true
      %reduce_sum3A_895 = vector.broadcast %reduce_sum3A_894 : i1 to vector<16xi1>
      %reduce_sum3A_896 = tpu.scan <sum>, %select_n3A_45 masked %reduce_sum3A_895 : vector<16xi32>, vector<16xi1> -> vector<16xi32>
      %reduce_sum3A_897 = vector.extract %reduce_sum3A_896[15] : i32 from vector<16xi32>
      %broadcast_in_dim3A_898 = vector.broadcast %reduce_sum3A_897 : i32 to vector<16xi32>
      %select_n3A_899 = arith.select %lt3A_893, %sub3A_890, %broadcast_in_dim3A_898 : vector<16xi1>, vector<16xi32>
      %swap3A_900 = arith.constant 0 : index
      %swap3A_901 = tpu.vector_load %arg8[%swap3A_900] {strides = array<i32>} : memref<16xi32, #tpu.memory_space<vmem>>, vector<16xi32>,
      tpu.vector_store %arg8[%swap3A_900], %select_n3A_899 {strides = array<i32>} : memref<16xi32, #tpu.memory_space<vmem>>, vector<16xi32>,
      "tpu.region"() ({
        %run_scoped3A = tpu.sem_alloc : memref<!tpu.dma_semaphore, #tpu.memory_space<semaphore_mem>>
        %dma_start3A_902 = arith.constant 0 : i32
        %dma_start3A_903 = tpu.memref_slice %arg8[%dma_start3A_902] : memref<16xi32, #tpu.memory_space<vmem>> -> memref<9xi32, #tpu.memory_space<vmem>>
        %dma_start3A_904 = arith.constant 0 : i32
        %dma_start3A_905 = tpu.memref_slice %arg8[%dma_start3A_904] : memref<16xi32, #tpu.memory_space<vmem>> -> memref<9xi32, #tpu.memory_space<vmem>>
        tpu.enqueue_dma source(%dma_start3A_905 : memref<9xi32, #tpu.memory_space<vmem>>) target(%arg5 : memref<9xi32, #tpu.memory_space<hbm>>) target_semaphore(%run_scoped3A : memref<!tpu.dma_semaphore, #tpu.memory_space<semaphore_mem>>)
        %dma_wait3A_906 = arith.constant 0 : i32
        %dma_wait3A_907 = tpu.memref_slice %arg8[%dma_wait3A_906] : memref<16xi32, #tpu.memory_space<vmem>> -> memref<9xi32, #tpu.memory_space<vmem>>
        %dma_wait3A_908 = arith.constant 0 : i32
        %dma_wait3A_909 = tpu.memref_slice %arg8[%dma_wait3A_908] : memref<16xi32, #tpu.memory_space<vmem>> -> memref<9xi32, #tpu.memory_space<vmem>>
        tpu.wait_dma2 semaphore(%run_scoped3A : memref<!tpu.dma_semaphore, #tpu.memory_space<semaphore_mem>>) src(%dma_wait3A_909 : memref<9xi32, #tpu.memory_space<vmem>>) dst(%arg5 : memref<9xi32, #tpu.memory_space<hbm>>)
        tpu.yield
      }) : () -> ()
    } else {
    }
    return
  }
}

</mosaic_0001>

<sc_bundles>
// kernel: kernel.3.cloned.1.call-start
scs
__scs_entry_jumppad:
0x0: {  	(pc) =	sbr.rel $0x88, $3  }
0x1: {  	(tag) =	ssettag $0x0;
	lr =	simm.s32 $0x1  }
0x2: {  	[smem:$0x3F9F] =	sst lr;
	_ =	strace $0xD0000000  }
0x3: {  	_ = 	snop  }
0x4: {  	_ = 	snop  }
0x5: {  	_ = 	snop  }
0x6: {  	_ = 	snop  }
0x7: {  	_ = 	snop  }
__scs_overlays_trampoline_lowered:
0x8: {  	[smem:$0x3FAE] =	sst s0  }
0x9: {  	[smem:$0x3FAF] =	sst s1  }
0xa: {  	[smem:$0x3FB0] =	sst s2  }
0xb: {  	[smem:$0x3FB1] =	sst s3  }
0xc: {  	[smem:$0x3FB2] =	sst s4  }
0xd: {  	[smem:$0x3FB3] =	sst s5  }
0xe: {  	[smem:$0x3FB4] =	sst s6  }
0xf: {  	[smem:$0x3FB5] =	sst s7  }
0x10: {  	[smem:$0x3FB6] =	sst s8  }
0x11: {  	[smem:$0x3FB7] =	sst s9;
	s0 =	simm.s32 @!p0 $0x0  }
0x12: {  	s1 =	sld [smem:$0x3F9D];
	s0 =	simm.s32 @p0 $0x1  }
0x13: {  	[smem:$0x3FB8] =	sst s0;
	s0 =	simm.s32 @!p1 $0x0  }
0x14: {  	s2 =	sld [smem:$0x3F9C];
	s0 =	simm.s32 @p1 $0x1  }
0x15: {  	[smem:$0x3FB9] =	sst s0;
	s0 =	simm.s32 @!p2 $0x0  }
0x16: {  	s3 =	sld [smem:$0x3FDB];
	s0 =	simm.s32 @p2 $0x1  }
0x17: {  	s4 =	simm.s32 $0x1BF5;
	[smem:$0x3FBB] =	sst s0  }
0x18: {  	s0 =	sld [smem:$0x3F9E];
	_ =	swait.ge [sflag:s4], $0x0  }
0x19: {  	s7 =	sld [smem:$0x3F9F]  }
0x1a: {  	s8 =	sadd.s32 $0xFFFFE003, lr  }
0x1b: {  	s9 =	sadd.s32 $0xFFFFFEF7, lr;
	s5 =	simm.s32 $0xFFFFFFFF;
	p2 =	slt.u32 s8, $0xFFFFF086  }
0x1c: {  	p1 =	slt.u32 s9, $0xF7A;
	s5 =	simm.s32 @!p2 $0x0  }
0x1d: {  	s5 =	simm.s32 @p1 $0x1;
	p0 =	seq.s32 s7, s2  }
0x1e: {  	s7 =	smul.u32 @!p0 $0xF7A, s2;
	p2 =	seq.s32 @!p0 s5, $0x0  }
0x1f: {  	s9 =	smul.u32 $0xF7A, s1;
	s8 =	simm.s32 @!p0 $0x1BF5;
	p2 =	por !p2, p0  }
0x20: {  	[sflag:s8] =	ssyncset.s32 @!p0 $0xFFFFF086;
	s6 =	sadd.s32 @!p0 s3, s7;
	s7 =	simm.s32 @!p0 $0x108  }
0x21: {  	s3 =	sadd.s32 s3, s9;
	s6 =	sadd.s32 @!p0 $0x88, s6;
	s7 =	simm.s32 @p2 $0x1082  }
0x22: {  	[simem:s7], [sflag:s8] =	dma.local @!p0 [hbm:s6], $0xF7A  }
0x23: {  	s9 =	sor.u32 $0xD0000000, s2;
	s6 =	simm.s32 $0x108;
	_ =	swait.ge @!p0 [sflag:s8], $0x0  }
0x24: {  	s3 =	sadd.s32 $0x88, s3;
	s6 =	simm.s32 @!p1 $0x1082;
	[sflag:s4] =	ssyncset.s32 $0xFFFFF086  }
0x25: {  	[simem:s6], [sflag:s4] =	dma.local [hbm:s3], $0xF7A  }
0x26: {  	[smem:$0x3F9F] =	sst s1;
	(tag) =	ssettag s2;
	_ =	strace s9  }
0x27: {  	s1 =	sld [smem:$0x3FAF]  }
0x28: {  	s2 =	sld [smem:$0x3FB0]  }
0x29: {  	s4 =	sld [smem:$0x3FB2]  }
0x2a: {  	p0 =	seq.s32 s5, $0x0;
	s5 =	sld [smem:$0x3FB3]  }
0x2b: {  	s6 =	sld [smem:$0x3FB4]  }
0x2c: {  	s7 =	sld [smem:$0x3FB5]  }
0x2d: {  	s3 =	simm.s32 $0x108;
	s8 =	sld [smem:$0x3FB6]  }
0x2e: {  	s3 =	simm.s32 @!p0 $0x1082;
	s9 =	sld [smem:$0x3FB7]  }
0x2f: {  	lr =	sadd.s32 s0, s3;
	s0 =	sld [smem:$0x3FAE]  }
0x30: {  	s3 =	sld [smem:$0x3FB1]  }
0x31: {  	[smem:$0x3FBA] =	sst s10  }
0x32: {  	s10 =	sld [smem:$0x3FB8];
	_ =	sdelay $0x3  }
0x33: {  	p0 =	seq.s32 s10, $0x1;
	s10 =	sld [smem:$0x3FBA];
	_ =	sdelay $0x3  }
0x34: {  	[smem:$0x3FBA] =	sst s10  }
0x35: {  	s10 =	sld [smem:$0x3FB9];
	_ =	sdelay $0x3  }
0x36: {  	p1 =	seq.s32 s10, $0x1;
	s10 =	sld [smem:$0x3FBA];
	_ =	sdelay $0x3  }
0x37: {  	[smem:$0x3FBA] =	sst s10  }
0x38: {  	s10 =	sld [smem:$0x3FBB]  }
0x39: {  	_ = 	snop;
	(pc) =	sbr.ind lr, $3  }
0x3a: {  	_ = 	snop  }
0x3b: {  	_ = 	snop  }
0x3c: {  	p2 =	seq.s32 s10, $0x1;
	s10 =	sld [smem:$0x3FBA]  }
0x3d: {  	_ =	shalt  }
0x3e: {  	_ =	shalt  }
0x3f: {  	_ =	shalt  }
0x40: {  	_ =	shalt  }
0x41: {  	_ =	shalt  }
0x42: {  	_ =	shalt  }
0x43: {  	_ =	shalt  }
0x44: {  	_ =	shalt  }
0x45: {  	_ =	shalt  }
0x46: {  	_ =	shalt  }
0x47: {  	_ =	shalt  }
0x48: {  	_ =	shalt  }
0x49: {  	_ =	shalt  }
0x4a: {  	_ =	shalt  }
0x4b: {  	_ =	shalt  }
0x4c: {  	_ =	shalt  }
0x4d: {  	_ =	shalt  }
0x4e: {  	_ =	shalt  }
0x4f: {  	_ =	shalt  }
0x50: {  	_ =	shalt  }
0x51: {  	_ =	shalt  }
0x52: {  	_ =	shalt  }
0x53: {  	_ =	shalt  }
0x54: {  	_ =	shalt  }
0x55: {  	_ =	shalt  }
0x56: {  	_ =	shalt  }
0x57: {  	_ =	shalt  }
0x58: {  	_ =	shalt  }
0x59: {  	_ =	shalt  }
0x5a: {  	_ =	shalt  }
0x5b: {  	_ =	shalt  }
0x5c: {  	_ =	shalt  }
0x5d: {  	_ =	shalt  }
0x5e: {  	_ =	shalt  }
0x5f: {  	_ =	shalt  }
0x60: {  	_ =	shalt  }
0x61: {  	_ =	shalt  }
0x62: {  	_ =	shalt  }
0x63: {  	_ =	shalt  }
0x64: {  	_ =	shalt  }
0x65: {  	_ =	shalt  }
0x66: {  	_ =	shalt  }
0x67: {  	_ =	shalt  }
0x68: {  	_ =	shalt  }
0x69: {  	_ =	shalt  }
0x6a: {  	_ =	shalt  }
0x6b: {  	_ =	shalt  }
0x6c: {  	_ =	shalt  }
0x6d: {  	_ =	shalt  }
0x6e: {  	_ =	shalt  }
0x6f: {  	_ =	shalt  }
0x70: {  	_ =	shalt  }
0x71: {  	_ =	shalt  }
0x72: {  	_ =	shalt  }
0x73: {  	_ =	shalt  }
0x74: {  	_ =	shalt  }
0x75: {  	_ =	shalt  }
0x76: {  	_ =	shalt  }
0x77: {  	_ =	shalt  }
0x78: {  	_ =	shalt  }
0x79: {  	_ =	shalt  }
0x7a: {  	_ =	shalt  }
0x7b: {  	_ =	shalt  }
0x7c: {  	_ =	shalt  }
0x7d: {  	_ =	shalt  }
0x7e: {  	_ =	shalt  }
0x7f: {  	_ =	shalt  }
0x80: {  	_ =	shalt  }
0x81: {  	_ =	shalt  }
0x82: {  	_ =	shalt  }
0x83: {  	_ =	shalt  }
0x84: {  	_ =	shalt  }
0x85: {  	_ =	shalt  }
0x86: {  	_ =	shalt  }
0x87: {  	_ =	shalt  }
.Lfunc_end0:
.L_simem_size_0:
called_computation_lowered:
.L_overlay_start_0:
0x88: {  	s0 =	sld [smem:$0x3FD9]  }
0x89: {  	s1 =	sld [smem:$0x3FFE];
	_ =	sdelay $0x3  }
0x8a: {  	s0 =	sadd.s32 s1, s0  }
0x8b: {  	[smem:$0x3FC6] =	sst s0  }
0x8c: {  	_ = 	snop  }
0x8d: {  	s0 =	sld [smem:$0x3FD0];
	_ =	sdelay $0x2  }
0x8e: {  	s2 =	simm.s32 $0xA;
	s3 =	simm.s32 $0x10;
	s13 =	sld [smem:$0x3FC8]  }
0x8f: {  	[smem:s3], [sflag:s2] =	dma.local [hbm:s0], $0x1  }
0x90: {  	_ =	swait.eq [sflag:s2], $0x1  }
0x91: {  	[sflag:s2] =	ssyncset.done $0x0  }
0x92: {  	s14 =	sld [smem:$0x10];
	[sflag:s2] =	ssyncadd.s32 $0xFFFFFFFF  }
0x93: {  	s15 =	sld [smem:$0x11];
	(tm) =	ssettm $0x1  }
0x94: {  	s16 =	sld [smem:$0x3FFB];
	_ =	sdelay $0x3  }
0x95: {  	_ =	strace s16  }
0x96: {  	s3 =	sld [smem:$0x3FFC];
	_ =	sdelay $0x3  }
0x97: {  	_ =	strace s3  }
0x98: {  	s3 =	sld [smem:$0x3FFD];
	_ =	sdelay $0x3  }
0x99: {  	_ =	strace s3  }
0x9a: {  	_ =	strace $0x8FFFFFFF  }
0x9b: {  	s17 =	sld [smem:$0x3FDB];
	_ =	sdelay $0x1  }
0x9c: {  	s4 =	simm.s32 $_scs_section_size  }
0x9d: {  	s5 =	simm.s32 $_size__tile_overlayer_lowered;
	s6 =	simm.s32 $_tile_overlayer_lowered  }
0x9e: {  	s20 =	simm.s32 $0x1BFF;
	s19 =	sshll.u32 s6, $0x1;
	s3 =	sadd.s32 s4, s17  }
0x9f: {  	s7 =	simm.s32 $0x0;
	s18 =	sshll.u32 s5, $0x1;
	s5 =	sadd.s32 s19, s3  }
0xa0: {  	[timem:s7], [sflag:s20] =	dma.local [hbm:s5], s18  }
0xa1: {  	_ =	swait.ge [sflag:s20], s18  }
0xa2: {  	s4 =	ssub.s32 $0x0, s18;
	[sflag:s20] =	ssyncset.done $0x0  }
0xa3: {  	[sflag:s20] =	ssyncadd.s32 s4;
	_ =	sdelay $0x1  }
0xa4: {  	s21 =	simm.s32 $0x1B8B  }
0xa5: {  	_ =	swait.ge [sflag:s21], $0x1  }
0xa6: {  	[sflag:s21] =	ssyncset.done $0x0  }
0xa7: {  	s23 =	simm.s32 $0x1B8E;
	s22 =	sld [smem:$0x3FFE];
	[sflag:s21] =	ssyncadd.s32 $0xFFFFFFFF  }
0xa8: {  	s24 =	simm.s32 $execute0_lowered;
	[smem:$0x3FD2] =	sst s23  }
0xa9: {  	s5 =	sshll.u32 s24, $0x1;
	_ =	strace $0x80000046;
	[dreg:$0x1] =	wrdreg $0xFFFFFFFF  }
0xaa: {  	s25 =	simm.s32 $_size_execute0_lowered;
	s3 =	sadd.s32 s3, s5;
	[dreg:$0x0] =	wrdreg $0x0  }
0xab: {  	s5 =	sshll.u32 s25, $0x1;
	[dreg:$0x2] =	wrdreg s3  }
0xac: {  	[dreg:$0x3] =	wrdreg s5  }
0xad: {  	[dreg:$0x4] =	wrdreg $0xC0  }
0xae: {  	_ =	task [dreg:s7], $0x5FFFF  }
0xaf: {  	[dreg:$0x1] =	wrdreg $0xFFFFFFFF  }
0xb0: {  	[dreg:$0x0] =	wrdreg $0x60  }
0xb1: {  	[dreg:$0x2] =	wrdreg s14  }
0xb2: {  	[dreg:$0x3] =	wrdreg s13  }
0xb3: {  	[dreg:$0x4] =	wrdreg s22  }
0xb4: {  	[dreg:$0x5] =	wrdreg s15  }
0xb5: {  	[dreg:$0x6] =	wrdreg $0x9  }
0xb6: {  	_ =	task.clear_ibuf [dreg:s7], $0x7FFFF;
	_ =	strace $0x90000046  }
0xb7: {  	s26 =	simm.s32 $0x9;
	_ =	strace $0x80000048  }
0xb8: {  	_ =	swait.ge [sflag:s26], $0x1  }
0xb9: {  	[sflag:s26] =	ssyncadd.s32 $0xFFFFFFFF  }
0xba: {  	_ =	strace $0x90000048  }
0xbb: {  	_ =	sfence  }
0xbc: {  	s28 =	sld [smem:$0x0];
	_ =	sdelay $0x1  }
0xbd: {  	s29 =	srdreg.scid  }
0xbe: {  	s30 =	sshll.u32 s29, $0xD;
	s31 =	sshrl.u32 s29, $0x2  }
0xbf: {  	s1 =	sand.u32 $0x1, s29;
	s2 =	sand.u32 $0x4000, s30;
	s0 =	sadd.s32 s31, s28  }
0xc0: {  	s1 =	sor.u32 s2, s1;
	s0 =	sshll.u32 s0, $0x11  }
0xc1: {  	s0 =	sor.u32 s0, s1  }
0xc2: {  	s0 =	sadd.s32 $0x8F2B, s0  }
0xc3: {  	[sflag:s0] =	ssyncadd.remote.s32 $0x1  }
0xc4: {  	_ =	sfence.sel $0xFFFF  }
0xc5: {  	[dreg:$0x0] =	wrdreg $0xFFFFFFFF;
	(pc) =	sbr.abs _section_cstart, $3  }
0xc6: {  	[dreg:$0x1] =	wrdreg $0xFFFFFFFF  }
0xc7: {  	_ =	task.clear_ibuf [dreg:s7], $0x2FFFF;
	_ =	strace $0x9FFFFFFF  }
0xc8: {  	(tm) =	ssettm $0x7FFFFFFF  }
0xc9: {  	_ =	shalt  }
tec
execute0_lowered:
.L_overlay_start_1:
0x0: {  	(tag) =	ssettag $0x1  }
0x1: {  	s5 =	rddreg [dreg:$0x0]  }
0x2: {  	s7 =	rddreg [dreg:$0x1]  }
0x3: {  	s4 =	rddreg [dreg:$0x2]  }
0x4: {  	s1 =	rddreg [dreg:$0x3];
	s3 =	simm.s32 $0x0  }
0x5: {  	s2 =	stileid.u32;
	[smem:$0x7FF] =	sst s3  }
0x6: {  	s0 =	rddreg [dreg:$0x4];
	s6 =	sshll.u32 s2, $0x7;
	_ =	strace $0x80000047  }
0x7: {  	[tilespmem:s3], [sflag:$0x1] =	stream.linear.gather [hbm4b:s7+s3], $0x8, $0x38;
	[tilespmem:$0x500] =	vst v63  }
0x8: {  	s9 =	simm.s32 $0x1;
	s8 =	sadd.s32 s5, s6;
	s5 =	simm.s32 $0x80  }
0x9: {  	[tilespmem:s5], [sflag:$0x2] =	stream.linear.gather [hbm4b:s8+s3], $0x400, $0x38;
	[tilespmem:$0x500] =	vst v63  }
0xa: {  	_ =	swait.ge [sflag:s9], $0x8  }
0xb: {  	[sflag:s9] =	ssyncset.done $0x0  }
0xc: {  	s10 =	simm.s32 $0x2;
	[sflag:s9] =	ssyncadd.s32 $0xFFFFFFF8  }
0xd: {  	_ =	swait.ge [sflag:s10], $0x400  }
0xe: {  	[sflag:s10] =	ssyncset.done $0x0  }
0xf: {  	[sflag:s10] =	ssyncadd.s32 $0xFFFFFC00  }
0x10: {  	v0 =	vld [tilespmem:$0x0];
	_ =	sdelay $0x2  }
0x11: {  	s11 =	sshrl.u32 s2, $0x1  }
0x12: {  	v1 =	vlaneseq.u32;
	vm0 =	vmmov $0xff;
	v2 =	vmov s11  }
0x13: {  	vm1 =	veq.s32 v2, v1;
	v0 =	vnsel vm0, $0x0, v0  }
0x14: {  	v2 =	vnsel vm1, $0x0, v0  }
0x15: {  	(xrf0) =	vadd.scan.msk.s32 $0xffff, v2;
	_ =	sdelay $0x4  }
0x16: {  	v3 =	vld [tilespmem:$0x80]  }
0x17: {  	s12 =	sshll.u32 s2, $0xA;
	v4 =	vld [tilespmem:$0x90];
	v2, _, _ =	vpop (xrf0)  }
0x18: {  	s7 =	sand.u32 $0x400, s12;
	v5 =	vld [tilespmem:$0xA0];
	v2 =	vbroadcast v2, $0xF  }
0x19: {  	v6 =	vor.u32 s7, v1;
	s8 =	sor.u32 $0x10, s7;
	v7 =	vld [tilespmem:$0xB0]  }
0x1a: {  	s13 =	sor.u32 $0x20, s7;
	v8 =	vor.u32 s8, v1;
	v44 =	vld [tilespmem:$0xC0];
	vm12 =	vlt.s32 v6, v2  }
0x1b: {  	s14 =	sor.u32 $0x30, s7;
	v9 =	vor.u32 s13, v1;
	v45 =	vld [tilespmem:$0xD0];
	vm13 =	vlt.s32 v8, v2;
	v3 =	vnsel vm12, $0x0, v3  }
0x1c: {  	s15 =	sor.u32 $0x40, s7;
	v46 =	vor.u32 s14, v1;
	v47 =	vld [tilespmem:$0xE0];
	vm14 =	vlt.s32 v9, v2;
	v4 =	vnsel vm13, $0x0, v4;
	[tilespmem:$0x80] =	vst v3  }
0x1d: {  	s16 =	sor.u32 $0x50, s7;
	v48 =	vor.u32 s15, v1;
	v49 =	vld [tilespmem:$0xF0];
	vm15 =	vlt.s32 v46, v2;
	v5 =	vnsel vm14, $0x0, v5;
	[tilespmem:$0x90] =	vst v4  }
0x1e: {  	s17 =	sor.u32 $0x60, s7;
	v50 =	vor.u32 s16, v1;
	v51 =	vld [tilespmem:$0x100];
	vm4 =	vlt.s32 v48, v2;
	v7 =	vnsel vm15, $0x0, v7;
	[tilespmem:$0xA0] =	vst v5  }
0x1f: {  	s18 =	sor.u32 $0x70, s7;
	v52 =	vor.u32 s17, v1;
	v53 =	vld [tilespmem:$0x110];
	vm5 =	vlt.s32 v50, v2;
	v6 =	vnsel vm4, $0x0, v44;
	[tilespmem:$0xB0] =	vst v7  }
0x20: {  	s19 =	sor.u32 $0x80, s7;
	v54 =	vor.u32 s18, v1;
	v55 =	vld [tilespmem:$0x120];
	vm6 =	vlt.s32 v52, v2;
	v8 =	vnsel vm5, $0x0, v45;
	[tilespmem:$0xC0] =	vst v6  }
0x21: {  	s20 =	sor.u32 $0x90, s7;
	v56 =	vor.u32 s19, v1;
	v57 =	vld [tilespmem:$0x130];
	vm7 =	vlt.s32 v54, v2;
	v9 =	vnsel vm6, $0x0, v47;
	[tilespmem:$0xD0] =	vst v8  }
0x22: {  	s21 =	sor.u32 $0xA0, s7;
	v58 =	vor.u32 s20, v1;
	v59 =	vld [tilespmem:$0x140];
	vm8 =	vlt.s32 v56, v2;
	[tilespmem:$0xE0] =	vst v9;
	v3 =	vnsel vm7, $0x0, v49  }
0x23: {  	s22 =	sor.u32 $0xB0, s7;
	v60 =	vor.u32 s21, v1;
	v61 =	vld [tilespmem:$0x150];
	vm9 =	vlt.s32 v58, v2;
	v4 =	vnsel vm8, $0x0, v51;
	[tilespmem:$0xF0] =	vst v3  }
0x24: {  	s23 =	sor.u32 $0xC0, s7;
	v62 =	vor.u32 s22, v1;
	v63 =	vld [tilespmem:$0x160];
	vm10 =	vlt.s32 v60, v2;
	v5 =	vnsel vm9, $0x0, v53;
	[tilespmem:$0x100] =	vst v4  }
0x25: {  	s24 =	sor.u32 $0xD0, s7;
	v11 =	vor.u32 s23, v1;
	v12 =	vld [tilespmem:$0x170];
	vm11 =	vlt.s32 v62, v2;
	v7 =	vnsel vm10, $0x0, v55;
	[tilespmem:$0x110] =	vst v5  }
0x26: {  	s25 =	sor.u32 $0xE0, s7;
	v13 =	vor.u32 s24, v1;
	v14 =	vld [tilespmem:$0x180];
	vm12 =	vlt.s32 v11, v2;
	v6 =	vnsel vm11, $0x0, v57;
	[tilespmem:$0x120] =	vst v7  }
0x27: {  	s26 =	sor.u32 $0xF0, s7;
	v15 =	vor.u32 s25, v1;
	v16 =	vld [tilespmem:$0x190];
	vm13 =	vlt.s32 v13, v2;
	v8 =	vnsel vm12, $0x0, v59;
	[tilespmem:$0x130] =	vst v6  }
0x28: {  	s28 =	sor.u32 $0x100, s7;
	v17 =	vor.u32 s26, v1;
	v18 =	vld [tilespmem:$0x1A0];
	vm14 =	vlt.s32 v15, v2;
	v9 =	vnsel vm13, $0x0, v61;
	[tilespmem:$0x140] =	vst v8  }
0x29: {  	s29 =	sor.u32 $0x110, s7;
	v19 =	vor.u32 s28, v1;
	v20 =	vld [tilespmem:$0x1B0];
	vm15 =	vlt.s32 v17, v2;
	[tilespmem:$0x150] =	vst v9;
	v3 =	vnsel vm14, $0x0, v63  }
0x2a: {  	s30 =	sor.u32 $0x120, s7;
	v21 =	vor.u32 s29, v1;
	v22 =	vld [tilespmem:$0x1C0];
	vm4 =	vlt.s32 v19, v2;
	v4 =	vnsel vm15, $0x0, v12;
	[tilespmem:$0x160] =	vst v3  }
0x2b: {  	s31 =	sor.u32 $0x130, s7;
	v23 =	vor.u32 s30, v1;
	v24 =	vld [tilespmem:$0x1D0];
	vm5 =	vlt.s32 v21, v2;
	v5 =	vnsel vm4, $0x0, v14;
	[tilespmem:$0x170] =	vst v4  }
0x2c: {  	v25 =	vor.u32 s31, v1;
	s9 =	sor.u32 $0x140, s7;
	v26 =	vld [tilespmem:$0x1E0];
	vm6 =	vlt.s32 v23, v2;
	v7 =	vnsel vm5, $0x0, v16;
	[tilespmem:$0x180] =	vst v5  }
0x2d: {  	v27 =	vor.u32 s9, v1;
	s10 =	sor.u32 $0x150, s7;
	v28 =	vld [tilespmem:$0x1F0];
	vm7 =	vlt.s32 v25, v2;
	v6 =	vnsel vm6, $0x0, v18;
	[tilespmem:$0x190] =	vst v7  }
0x2e: {  	s11 =	sor.u32 $0x160, s7;
	v29 =	vor.u32 s10, v1;
	v30 =	vld [tilespmem:$0x200];
	vm8 =	vlt.s32 v27, v2;
	v8 =	vnsel vm7, $0x0, v20;
	[tilespmem:$0x1A0] =	vst v6  }
0x2f: {  	s12 =	sor.u32 $0x170, s7;
	v31 =	vor.u32 s11, v1;
	v32 =	vld [tilespmem:$0x210];
	vm9 =	vlt.s32 v29, v2;
	v9 =	vnsel vm8, $0x0, v22;
	[tilespmem:$0x1B0] =	vst v8  }
0x30: {  	v33 =	vor.u32 s12, v1;
	s13 =	sor.u32 $0x180, s7;
	v34 =	vld [tilespmem:$0x220];
	vm10 =	vlt.s32 v31, v2;
	[tilespmem:$0x1C0] =	vst v9;
	v3 =	vnsel vm9, $0x0, v24  }
0x31: {  	s14 =	sor.u32 $0x190, s7;
	v35 =	vor.u32 s13, v1;
	v36 =	vld [tilespmem:$0x230];
	vm11 =	vlt.s32 v33, v2;
	v4 =	vnsel vm10, $0x0, v26;
	[tilespmem:$0x1D0] =	vst v3  }
0x32: {  	s15 =	sor.u32 $0x1A0, s7;
	v37 =	vor.u32 s14, v1;
	v38 =	vld [tilespmem:$0x240];
	vm12 =	vlt.s32 v35, v2;
	v5 =	vnsel vm11, $0x0, v28;
	[tilespmem:$0x1E0] =	vst v4  }
0x33: {  	s16 =	sor.u32 $0x1B0, s7;
	v39 =	vor.u32 s15, v1;
	v40 =	vld [tilespmem:$0x250];
	vm13 =	vlt.s32 v37, v2;
	v7 =	vnsel vm12, $0x0, v30;
	[tilespmem:$0x1F0] =	vst v5  }
0x34: {  	s17 =	sor.u32 $0x1C0, s7;
	v41 =	vor.u32 s16, v1;
	v42 =	vld [tilespmem:$0x260];
	vm14 =	vlt.s32 v39, v2;
	v6 =	vnsel vm13, $0x0, v32;
	[tilespmem:$0x200] =	vst v7  }
0x35: {  	s18 =	sor.u32 $0x1D0, s7;
	v43 =	vor.u32 s17, v1;
	v46 =	vld [tilespmem:$0x280];
	vm15 =	vlt.s32 v41, v2;
	v8 =	vnsel vm14, $0x0, v34;
	[tilespmem:$0x210] =	vst v6  }
0x36: {  	s19 =	sor.u32 $0x1E0, s7;
	v48 =	vld [tilespmem:$0x290];
	v45 =	vor.u32 s18, v1;
	vm4 =	vlt.s32 v43, v2;
	v9 =	vnsel vm15, $0x0, v36;
	[tilespmem:$0x220] =	vst v8  }
0x37: {  	s21 =	sor.u32 $0x200, s7;
	v50 =	vld [tilespmem:$0x2A0];
	v47 =	vor.u32 s19, v1;
	vm5 =	vlt.s32 v45, v2;
	[tilespmem:$0x230] =	vst v9;
	v3 =	vnsel vm4, $0x0, v38  }
0x38: {  	s22 =	sor.u32 $0x210, s7;
	v44 =	vld [tilespmem:$0x270];
	v51 =	vor.u32 s21, v1;
	vm6 =	vlt.s32 v47, v2;
	v4 =	vnsel vm5, $0x0, v40;
	[tilespmem:$0x240] =	vst v3  }
0x39: {  	s23 =	sor.u32 $0x220, s7;
	v52 =	vld [tilespmem:$0x2B0];
	v53 =	vor.u32 s22, v1;
	vm8 =	vlt.s32 v51, v2;
	v5 =	vnsel vm6, $0x0, v42;
	[tilespmem:$0x250] =	vst v4  }
0x3a: {  	s20 =	sor.u32 $0x1F0, s7;
	v54 =	vld [tilespmem:$0x2C0];
	v55 =	vor.u32 s23, v1;
	vm9 =	vlt.s32 v53, v2;
	v6 =	vnsel vm8, $0x0, v46;
	[tilespmem:$0x260] =	vst v5  }
0x3b: {  	s24 =	sor.u32 $0x230, s7;
	v56 =	vld [tilespmem:$0x2D0];
	v49 =	vor.u32 s20, v1;
	vm10 =	vlt.s32 v55, v2;
	v8 =	vnsel vm9, $0x0, v48;
	[tilespmem:$0x280] =	vst v6  }
0x3c: {  	s25 =	sor.u32 $0x240, s7;
	v60 =	vld [tilespmem:$0x2F0];
	v57 =	vor.u32 s24, v1;
	vm7 =	vlt.s32 v49, v2;
	v9 =	vnsel vm10, $0x0, v50;
	[tilespmem:$0x290] =	vst v8  }
0x3d: {  	s26 =	sor.u32 $0x250, s7;
	v62 =	vld [tilespmem:$0x300];
	v59 =	vor.u32 s25, v1;
	vm11 =	vlt.s32 v57, v2;
	v7 =	vnsel vm7, $0x0, v44;
	[tilespmem:$0x2A0] =	vst v9  }
0x3e: {  	s29 =	sor.u32 $0x270, s7;
	v58 =	vld [tilespmem:$0x2E0];
	v61 =	vor.u32 s26, v1;
	vm12 =	vlt.s32 v59, v2;
	v3 =	vnsel vm11, $0x0, v52;
	[tilespmem:$0x270] =	vst v7  }
0x3f: {  	s30 =	sor.u32 $0x280, s7;
	v13 =	vor.u32 s29, v1;
	v12 =	vld [tilespmem:$0x310];
	vm13 =	vlt.s32 v61, v2;
	v4 =	vnsel vm12, $0x0, v54;
	[tilespmem:$0x2B0] =	vst v3  }
0x40: {  	s28 =	sor.u32 $0x260, s7;
	v15 =	vor.u32 s30, v1;
	v14 =	vld [tilespmem:$0x320];
	vm15 =	vlt.s32 v13, v2;
	v5 =	vnsel vm13, $0x0, v56;
	[tilespmem:$0x2C0] =	vst v4  }
0x41: {  	s31 =	sor.u32 $0x290, s7;
	v63 =	vor.u32 s28, v1;
	v16 =	vld [tilespmem:$0x330];
	vm4 =	vlt.s32 v15, v2;
	v6 =	vnsel vm15, $0x0, v60;
	[tilespmem:$0x2D0] =	vst v5  }
0x42: {  	s9 =	sor.u32 $0x2A0, s7;
	v17 =	vor.u32 s31, v1;
	v18 =	vld [tilespmem:$0x340];
	vm14 =	vlt.s32 v63, v2;
	v8 =	vnsel vm4, $0x0, v62;
	[tilespmem:$0x2F0] =	vst v6  }
0x43: {  	s10 =	sor.u32 $0x2B0, s7;
	v19 =	vor.u32 s9, v1;
	v20 =	vld [tilespmem:$0x350];
	vm5 =	vlt.s32 v17, v2;
	v7 =	vnsel vm14, $0x0, v58;
	[tilespmem:$0x300] =	vst v8  }
0x44: {  	s11 =	sor.u32 $0x2C0, s7;
	v21 =	vor.u32 s10, v1;
	v22 =	vld [tilespmem:$0x360];
	vm6 =	vlt.s32 v19, v2;
	[tilespmem:$0x2E0] =	vst v7;
	v9 =	vnsel vm5, $0x0, v12  }
0x45: {  	s12 =	sor.u32 $0x2D0, s7;
	v23 =	vor.u32 s11, v1;
	v24 =	vld [tilespmem:$0x370];
	vm7 =	vlt.s32 v21, v2;
	v3 =	vnsel vm6, $0x0, v14;
	[tilespmem:$0x310] =	vst v9  }
0x46: {  	s13 =	sor.u32 $0x2E0, s7;
	v25 =	vor.u32 s12, v1;
	v26 =	vld [tilespmem:$0x380];
	vm8 =	vlt.s32 v23, v2;
	v4 =	vnsel vm7, $0x0, v16;
	[tilespmem:$0x320] =	vst v3  }
0x47: {  	s14 =	sor.u32 $0x2F0, s7;
	v27 =	vor.u32 s13, v1;
	v28 =	vld [tilespmem:$0x390];
	vm9 =	vlt.s32 v25, v2;
	v5 =	vnsel vm8, $0x0, v18;
	[tilespmem:$0x330] =	vst v4  }
0x48: {  	s15 =	sor.u32 $0x300, s7;
	v29 =	vor.u32 s14, v1;
	v30 =	vld [tilespmem:$0x3A0];
	vm10 =	vlt.s32 v27, v2;
	v7 =	vnsel vm9, $0x0, v20;
	[tilespmem:$0x340] =	vst v5  }
0x49: {  	s16 =	sor.u32 $0x310, s7;
	v31 =	vor.u32 s15, v1;
	v32 =	vld [tilespmem:$0x3B0];
	vm11 =	vlt.s32 v29, v2;
	v6 =	vnsel vm10, $0x0, v22;
	[tilespmem:$0x350] =	vst v7  }
0x4a: {  	s17 =	sor.u32 $0x320, s7;
	v33 =	vor.u32 s16, v1;
	v34 =	vld [tilespmem:$0x3C0];
	vm12 =	vlt.s32 v31, v2;
	[tilespmem:$0x360] =	vst v6;
	v8 =	vnsel vm11, $0x0, v24  }
0x4b: {  	s18 =	sor.u32 $0x330, s7;
	v35 =	vor.u32 s17, v1;
	v36 =	vld [tilespmem:$0x3D0];
	vm13 =	vlt.s32 v33, v2;
	v9 =	vnsel vm12, $0x0, v26;
	[tilespmem:$0x370] =	vst v8  }
0x4c: {  	s19 =	sor.u32 $0x340, s7;
	v37 =	vor.u32 s18, v1;
	v38 =	vld [tilespmem:$0x3E0];
	vm14 =	vlt.s32 v35, v2;
	v3 =	vnsel vm13, $0x0, v28;
	[tilespmem:$0x380] =	vst v9  }
0x4d: {  	s20 =	sor.u32 $0x350, s7;
	v39 =	vor.u32 s19, v1;
	v40 =	vld [tilespmem:$0x3F0];
	vm15 =	vlt.s32 v37, v2;
	v4 =	vnsel vm14, $0x0, v30;
	[tilespmem:$0x390] =	vst v3  }
0x4e: {  	s21 =	sor.u32 $0x360, s7;
	v41 =	vor.u32 s20, v1;
	v42 =	vld [tilespmem:$0x400];
	vm4 =	vlt.s32 v39, v2;
	v5 =	vnsel vm15, $0x0, v32;
	[tilespmem:$0x3A0] =	vst v4  }
0x4f: {  	s22 =	sor.u32 $0x370, s7;
	v43 =	vor.u32 s21, v1;
	v46 =	vld [tilespmem:$0x420];
	vm5 =	vlt.s32 v41, v2;
	v7 =	vnsel vm4, $0x0, v34;
	[tilespmem:$0x3B0] =	vst v5  }
0x50: {  	s23 =	sor.u32 $0x380, s7;
	v45 =	vor.u32 s22, v1;
	v48 =	vld [tilespmem:$0x430];
	vm6 =	vlt.s32 v43, v2;
	v6 =	vnsel vm5, $0x0, v36;
	[tilespmem:$0x3C0] =	vst v7  }
0x51: {  	s25 =	sor.u32 $0x3A0, s7;
	v47 =	vor.u32 s23, v1;
	v50 =	vld [tilespmem:$0x440];
	vm7 =	vlt.s32 v45, v2;
	[tilespmem:$0x3D0] =	vst v6;
	v8 =	vnsel vm6, $0x0, v38  }
0x52: {  	s26 =	sor.u32 $0x3B0, s7;
	v51 =	vor.u32 s25, v1;
	v44 =	vld [tilespmem:$0x410];
	vm8 =	vlt.s32 v47, v2;
	v9 =	vnsel vm7, $0x0, v40;
	[tilespmem:$0x3E0] =	vst v8  }
0x53: {  	s28 =	sor.u32 $0x3C0, s7;
	v53 =	vor.u32 s26, v1;
	v52 =	vld [tilespmem:$0x450];
	vm10 =	vlt.s32 v51, v2;
	v3 =	vnsel vm8, $0x0, v42;
	[tilespmem:$0x3F0] =	vst v9  }
0x54: {  	s24 =	sor.u32 $0x390, s7;
	v55 =	vor.u32 s28, v1;
	v54 =	vld [tilespmem:$0x460];
	vm11 =	vlt.s32 v53, v2;
	v5 =	vnsel vm10, $0x0, v46;
	[tilespmem:$0x400] =	vst v3  }
0x55: {  	s29 =	sor.u32 $0x3D0, s7;
	v49 =	vor.u32 s24, v1;
	v56 =	vld [tilespmem:$0x470];
	vm12 =	vlt.s32 v55, v2;
	v58 =	vnsel vm11, $0x0, v48;
	[tilespmem:$0x420] =	vst v5  }
0x56: {  	s30 =	sor.u32 $0x3E0, s7;
	v57 =	vor.u32 s29, v1;
	vm9 =	vlt.s32 v49, v2;
	v60 =	vnsel vm12, $0x0, v50;
	[tilespmem:$0x430] =	vst v58  }
0x57: {  	s7 =	sor.u32 $0x3F0, s7;
	v59 =	vor.u32 s30, v1;
	vm13 =	vlt.s32 v57, v2;
	v4 =	vnsel vm9, $0x0, v44;
	[tilespmem:$0x440] =	vst v60  }
0x58: {  	v1 =	vor.u32 s7, v1;
	vm14 =	vlt.s32 v59, v2;
	v61 =	vnsel vm13, $0x0, v52;
	[tilespmem:$0x410] =	vst v4  }
0x59: {  	vm15 =	vlt.s32 v1, v2;
	v62 =	vnsel vm14, $0x0, v54;
	[tilespmem:$0x450] =	vst v61  }
0x5a: {  	s4 =	sadd.s32 s6, s4;
	v63 =	vnsel vm15, $0x0, v56;
	[tilespmem:$0x460] =	vst v62  }
0x5b: {  	s4 =	sadd.s32 $0x800, s4;
	s31 =	simm.s32 $0x3;
	[tilespmem:$0x470] =	vst v63  }
0x5c: {  	[hbm4b:s4+s3] =	stream.linear.scatter [tilespmem:s5], [sflag:$0x3], $0x400, $0x38;
	[tilespmem:$0x500] =	vst v63  }
0x5d: {  	_ =	swait.ge [sflag:s31], $0x400  }
0x5e: {  	[sflag:s31] =	ssyncset.done $0x0  }
0x5f: {  	p0 =	sne.s32 s2, $0x0;
	[sflag:s31] =	ssyncadd.s32 $0xFFFFFC00  }
0x60: {  	_ =	sfence.sel @p0 $0x180000  }
0x61: {  	[bflag:$0x0] =	sbarrier.arrive @p0 $0xFFFF  }
0x62: {  	_ =	strace @p0 $0x90000047  }
0x63: {  	[bflag:$0x2] =	sbarrier.arrive @p0 $0xFFFF  }
0x64: {  	(xrf0) =	vadd.scan.msk.s32 @!p0 $0xffff, v0;
	_ =	sdelay $0x5  }
0x65: {  	v1, _, _ =	vpop @!p0 (xrf0)  }
0x66: {  	v2 =	vbroadcast @!p0 v1, $0xF  }
0x67: {  	vm0 =	vcmask @!p0 $0x3F20;
	v0 =	vsub.s32 @!p0 v1, v0  }
0x68: {  	v0 =	vsel @!p0 vm0, v2, v0  }
0x69: {  	s2 =	simm.s32 @!p0 $0x0;
	s3 =	simm.s32 @!p0 $0x480;
	[tilespmem:$0x480] =	vst @!p0 v0  }
0x6a: {  	[hbm4b:s1+s2] =	stream.linear.scatter @!p0 [tilespmem:s3], [sflag:$0x3], $0x9, $0x38;
	[tilespmem:$0x500] =	vst v63  }
0x6b: {  	s1 =	simm.s32 @!p0 $0x3  }
0x6c: {  	_ =	swait.ge @!p0 [sflag:s1], $0x9  }
0x6d: {  	[sflag:s1] =	ssyncset.done @!p0 $0x0  }
0x6e: {  	[sflag:s1] =	ssyncadd.s32 @!p0 $0xFFFFFFF7  }
0x6f: {  	_ =	sfence.sel @!p0 $0x180000  }
0x70: {  	[bflag:$0x0] =	sbarrier.arrive @!p0 $0xFFFF  }
0x71: {  	_ =	strace @!p0 $0x90000047  }
0x72: {  	s0 =	sadd.s32 @!p0 $0x100000, s0;
	[bflag:$0x2] =	sbarrier.arrive @!p0 $0xFFFF  }
0x73: {  	[sflag:s0] =	ssyncadd.tile.s32 @!p0 $0x1;
	_ =	shalt  }
.Lfunc_end2:
_tile_overlayer_lowered:
.L_overlay_start_2:
0x74: {  	(tag) =	ssettag $0x2  }
0x75: {  	s0 =	rddreg [dreg:$0x0];
	s2 =	stileid.u32  }
0x76: {  	s1 =	rddreg [dreg:$0x1];
	p0 =	sne.s32 s2, $0x0  }
0x77: {  	s3 =	rddreg [dreg:$0x2];
	[bflag:$0x3] =	sbarrier.arrive $0xFFFF;
	s2 =	simm.s32 @!p0 $0x1C03  }
0x78: {  	[timem:s3], [sflag:s2] =	dma.local @!p0 [hbm:s0], s1  }
0x79: {  	s0 =	simm.s32 @!p0 $0x3  }
0x7a: {  	_ =	swait.ge @!p0 [sflag:s0], s1  }
0x7b: {  	s1 =	ssub.s32 @!p0 $0x0, s1;
	[sflag:s0] =	ssyncset.done @!p0 $0x0  }
0x7c: {  	[sflag:s0] =	ssyncadd.s32 @!p0 s1  }
0x7d: {  	[bflag:$0x3] =	sbarrier.arrive $0xFFFF  }
0x7e: {  	_ =	shalt  }

</sc_bundles>
